<compile_context>
chip_gen: v7x
topology: tpu7x:2x2x1
jax: 0.10.2.dev20260603
libtpu: 0.0.44.dev20260713+nightly
codegen_flags: <defaults>
</compile_context>

<pallas_src>
import jax
import jax.numpy as jnp
from jax import lax
from jax.experimental import pallas as pl
from jax.experimental.pallas import tpu as pltpu
from jax.experimental.pallas import tpu_sc as plsc

B = 4096
N = 204800
V = 100000
D = 128
H = 1024
C = 512

NC = 2
NS = 16
NW = NC * NS

BIG = N - (B - 1)
TAIL_PAD = ((BIG + NW * 8 - 1) // (NW * 8)) * (NW * 8)
PAD = TAIL_PAD - BIG
T_PER_W = TAIL_PAD // NW
G = 40
NCHUNK = T_PER_W // G
K = 8
H_PER_W = B // NW


def _sc_embed_body(head_hbm, tail_hbm, em_hbm, gath_hbm, part_hbm,
                   idx_head, rows_head, idx_tail, bufs, row_v, sem_h, sems):
    wid = lax.axis_index("s") * NC + lax.axis_index("c")

    hbase = wid * H_PER_W
    pltpu.sync_copy(head_hbm.at[pl.ds(hbase, H_PER_W)], idx_head)
    head_cpy = pltpu.async_copy(em_hbm.at[idx_head], rows_head, sem_h)

    tbase = wid * T_PER_W
    pltpu.sync_copy(tail_hbm.at[pl.ds(tbase, T_PER_W)], idx_tail)

    zero = jnp.zeros((16,), jnp.float32)

    def zero_body(r, carry):
        for b in bufs:
            for v in range(8):
                b[r, pl.ds(v * 16, 16)] = zero
        return carry

    lax.fori_loop(0, G, zero_body, 0)

    def quad_body(i, carry):
        c0 = K * i
        hs = [pltpu.async_copy(
                  em_hbm.at[idx_tail.at[pl.ds((c0 + k) * G, G)]],
                  bufs[k], sems[k], add=True)
              for k in range(K)]
        for h in hs:
            h.wait()
        return carry

    lax.fori_loop(0, NCHUNK // K, quad_body, 0)
    rem = NCHUNK - (NCHUNK // K) * K
    hs = [pltpu.async_copy(
              em_hbm.at[idx_tail.at[pl.ds(((NCHUNK // K) * K + k) * G, G)]],
              bufs[k], sems[k], add=True)
          for k in range(rem)]
    for h in hs:
        h.wait()

    def row_body(r, a):
        for b in bufs:
            a = tuple(a[v] + b[r, pl.ds(v * 16, 16)] for v in range(8))
        return a

    acc = lax.fori_loop(0, G, row_body, (zero,) * 8)
    for v in range(8):
        row_v[pl.ds(v * 16, 16)] = acc[v]
    pltpu.sync_copy(row_v, part_hbm.at[wid])

    head_cpy.wait()
    pltpu.sync_copy(rows_head, gath_hbm.at[pl.ds(hbase, H_PER_W)])


def _sc_embed(tokens_head, tokens_tail, em_weight):
    mesh = plsc.VectorSubcoreMesh(core_axis_name="c", subcore_axis_name="s")
    return pl.kernel(
        _sc_embed_body,
        out_type=(
            jax.ShapeDtypeStruct((B, D), jnp.float32),
            jax.ShapeDtypeStruct((NW, D), jnp.float32),
        ),
        mesh=mesh,
        scratch_types=[
            pltpu.VMEM((H_PER_W,), jnp.int32),
            pltpu.VMEM((H_PER_W, D), jnp.float32),
            pltpu.VMEM((T_PER_W,), jnp.int32),
            [pltpu.VMEM((G, D), jnp.float32) for _ in range(K)],
            pltpu.VMEM((D,), jnp.float32),
            pltpu.SemaphoreType.DMA,
            [pltpu.SemaphoreType.DMA for _ in range(K)],
        ],
    )(tokens_head, tokens_tail, em_weight)


ROWS_BLK = 512
NBLK = B // ROWS_BLK


def _tc_mlp_body(gath_ref, part_ref, em0_ref, w1_ref, b1_ref, w2_ref, b2_ref,
                 out_ref):
    i = pl.program_id(0)
    big = (jnp.sum(part_ref[...], axis=0, keepdims=True)
           - jnp.float32(PAD) * em0_ref[...]) * jnp.float32(1.0 / BIG)
    rows = lax.broadcasted_iota(jnp.int32, (ROWS_BLK, 1), 0) + i * ROWS_BLK
    x = jnp.where(rows == B - 1, big, gath_ref[...])
    h = jnp.tanh(
        lax.dot_general(x, w1_ref[...], (((1,), (1,)), ((), ())),
                        preferred_element_type=jnp.float32) + b1_ref[...])
    out_ref[...] = lax.dot_general(
        h, w2_ref[...], (((1,), (1,)), ((), ())),
        preferred_element_type=jnp.float32) + b2_ref[...]


def _tc_mlp(gath, partials, em0, fc1_w, fc1_b, fc2_w, fc2_b):
    return pl.pallas_call(
        _tc_mlp_body,
        grid=(NBLK,),
        in_specs=[
            pl.BlockSpec((ROWS_BLK, D), lambda i: (i, 0)),
            pl.BlockSpec((NW, D), lambda i: (0, 0)),
            pl.BlockSpec((1, D), lambda i: (0, 0)),
            pl.BlockSpec((H, D), lambda i: (0, 0)),
            pl.BlockSpec((1, H), lambda i: (0, 0)),
            pl.BlockSpec((C, H), lambda i: (0, 0)),
            pl.BlockSpec((1, C), lambda i: (0, 0)),
        ],
        out_specs=pl.BlockSpec((ROWS_BLK, C), lambda i: (i, 0)),
        out_shape=jax.ShapeDtypeStruct((B, C), jnp.float32),
    )(gath, partials, em0, fc1_w, fc1_b, fc2_w, fc2_b)


def kernel(tokens, offsets, em_weight, fc1_w, fc1_b, fc2_w, fc2_b):
    tokens_head = lax.slice(tokens, (0,), (B,))
    tokens_tail = jnp.pad(lax.slice(tokens, (B - 1,), (N,)), (0, PAD))
    gath, partials = _sc_embed(tokens_head, tokens_tail, em_weight)
    em0 = lax.slice(em_weight, (0, 0), (1, D))
    return _tc_mlp(gath, partials, em0, fc1_w,
                   fc1_b.reshape(1, H), fc2_w, fc2_b.reshape(1, C))

# --- scband reference (transcript-rebuilt; emitter-appended) ---
"""Pipeline reference for scband-intents-neural-net-42829413876028 (READ-ONLY COPY).

The authoritative reference and input builder live on the scoring server;
editing this copy changes nothing except your own understanding.
"""

import jax, jax.numpy as jnp
import numpy as np

B = 4096
N = 204800
V = 100000
D = 128
H = 1024
C = 512


def setup_inputs(seed: int = 0) -> dict:
    key = jax.random.key(seed)
    ks = jax.random.split(key, 7)
    tokens = jax.random.randint(ks[0], (N,), 0, V, dtype=jnp.int32)
    offsets = jnp.arange(B, dtype=jnp.int32)
    em_weight = jax.random.normal(ks[1], (V, D), dtype=jnp.float32)
    lim1 = 1.0 / np.sqrt(D)
    fc1_w = jax.random.uniform(ks[2], (H, D), jnp.float32, -lim1, lim1)
    fc1_b = jax.random.uniform(ks[3], (H,), jnp.float32, -lim1, lim1)
    lim2 = 1.0 / np.sqrt(H)
    fc2_w = jax.random.uniform(ks[4], (C, H), jnp.float32, -lim2, lim2)
    fc2_b = jax.random.uniform(ks[5], (C,), jnp.float32, -lim2, lim2)
    return {"tokens": tokens, "offsets": offsets, "em_weight": em_weight,
            "fc1_w": fc1_w, "fc1_b": fc1_b, "fc2_w": fc2_w, "fc2_b": fc2_b}


def reference(tokens, offsets, em_weight, fc1_w, fc1_b, fc2_w, fc2_b):
    n = tokens.shape[0]
    b = offsets.shape[0]
    # EmbeddingBag with default mode='mean': gather then segment-mean per bag
    emb = jnp.take(em_weight, tokens, axis=0)
    seg = jnp.searchsorted(offsets, jnp.arange(n, dtype=offsets.dtype), side='right') - 1
    sums = jax.ops.segment_sum(emb, seg, num_segments=b)
    ends = jnp.concatenate([offsets, jnp.array([n], dtype=offsets.dtype)])
    counts = jnp.diff(ends)
    denom = jnp.maximum(counts, 1).astype(jnp.float32)[:, None]
    pooled = sums / denom
    h = jnp.tanh(pooled @ fc1_w.T + fc1_b)
    out = h @ fc2_w.T + fc2_b
    return out

if __name__ == "__main__":
    import jax
    _d = setup_inputs()
    print(jax.jit(kernel)(*tuple(_d.values())))

</pallas_src>

<mosaic_0001>
#map = affine_map<(d0, d1) -> (0)>
#map1 = affine_map<(d0, d1) -> (0, 0)>
module attributes {stable_mosaic.version = 14 : i64} {
  func.func @_sc_embed_body(%arg0: i32, %arg1: i32, %arg2: memref<4096xi32, #tpu.memory_space<hbm>>, %arg3: memref<200960xi32, #tpu.memory_space<hbm>>, %arg4: memref<100000x128xf32, #tpu.memory_space<hbm>>, %arg5: memref<4096x128xf32, #tpu.memory_space<hbm>>, %arg6: memref<32x128xf32, #tpu.memory_space<hbm>>, %arg7: memref<128xi32, #tpu.memory_space<vmem>>, %arg8: memref<128x128xf32, #tpu.memory_space<vmem>>, %arg9: memref<6280xi32, #tpu.memory_space<vmem>>, %arg10: memref<40x128xf32, #tpu.memory_space<vmem>>, %arg11: memref<40x128xf32, #tpu.memory_space<vmem>>, %arg12: memref<40x128xf32, #tpu.memory_space<vmem>>, %arg13: memref<40x128xf32, #tpu.memory_space<vmem>>, %arg14: memref<40x128xf32, #tpu.memory_space<vmem>>, %arg15: memref<40x128xf32, #tpu.memory_space<vmem>>, %arg16: memref<40x128xf32, #tpu.memory_space<vmem>>, %arg17: memref<40x128xf32, #tpu.memory_space<vmem>>, %arg18: memref<128xf32, #tpu.memory_space<vmem>>, %arg19: memref<!tpu.dma_semaphore, #tpu.memory_space<semaphore_mem>>, %arg20: memref<!tpu.dma_semaphore, #tpu.memory_space<semaphore_mem>>, %arg21: memref<!tpu.dma_semaphore, #tpu.memory_space<semaphore_mem>>, %arg22: memref<!tpu.dma_semaphore, #tpu.memory_space<semaphore_mem>>, %arg23: memref<!tpu.dma_semaphore, #tpu.memory_space<semaphore_mem>>, %arg24: memref<!tpu.dma_semaphore, #tpu.memory_space<semaphore_mem>>, %arg25: memref<!tpu.dma_semaphore, #tpu.memory_space<semaphore_mem>>, %arg26: memref<!tpu.dma_semaphore, #tpu.memory_space<semaphore_mem>>, %arg27: memref<!tpu.dma_semaphore, #tpu.memory_space<semaphore_mem>>) attributes {dimension_semantics = [#tpu.dimension_semantics<core_parallel>, #tpu.dimension_semantics<subcore_parallel>], iteration_bounds = array<i64: 2, 16>, scalar_prefetch = 0 : i64, scratch_operands = 21 : i64, tpu.core_type = #tpu.core_type<sc_vector_subcore>, window_params = [{transform_indices = #map}, {transform_indices = #map}, {transform_indices = #map1}, {transform_indices = #map1}, {transform_indices = #map1}]} {
    %mul3A = arith.constant 2 : i32
    %mul3A_0 = arith.muli %arg1, %mul3A : i32
    %add3A = arith.addi %mul3A_0, %arg0 : i32
    %mul3A_1 = arith.constant 128 : i32
    %mul3A_2 = arith.muli %add3A, %mul3A_1 : i32
    "tpu.region"() ({
      %run_scoped3A = tpu.sem_alloc : memref<!tpu.dma_semaphore, #tpu.memory_space<semaphore_mem>>
      %dma_start3A_108 = tpu.memref_slice %arg2[%mul3A_2] : memref<4096xi32, #tpu.memory_space<hbm>> -> memref<128xi32, #tpu.memory_space<hbm>>
      %dma_start3A_109 = tpu.memref_slice %arg2[%mul3A_2] : memref<4096xi32, #tpu.memory_space<hbm>> -> memref<128xi32, #tpu.memory_space<hbm>>
      tpu.enqueue_dma source(%dma_start3A_109 : memref<128xi32, #tpu.memory_space<hbm>>) target(%arg7 : memref<128xi32, #tpu.memory_space<vmem>>) target_semaphore(%run_scoped3A : memref<!tpu.dma_semaphore, #tpu.memory_space<semaphore_mem>>)
      %dma_wait3A_110 = tpu.memref_slice %arg2[%mul3A_2] : memref<4096xi32, #tpu.memory_space<hbm>> -> memref<128xi32, #tpu.memory_space<hbm>>
      %dma_wait3A_111 = tpu.memref_slice %arg2[%mul3A_2] : memref<4096xi32, #tpu.memory_space<hbm>> -> memref<128xi32, #tpu.memory_space<hbm>>
      tpu.wait_dma2 semaphore(%run_scoped3A : memref<!tpu.dma_semaphore, #tpu.memory_space<semaphore_mem>>) src(%dma_wait3A_111 : memref<128xi32, #tpu.memory_space<hbm>>) dst(%arg7 : memref<128xi32, #tpu.memory_space<vmem>>)
      tpu.yield
    }) : () -> ()
    %dma_start3A = arith.constant 0 : i32
    %dma_start3A_3 = arith.constant 0 : i32
    %dma_start3A_4 = tpu.memref_slice %arg4[%dma_start3A, %dma_start3A_3] : memref<100000x128xf32, #tpu.memory_space<hbm>> -> memref<100000x128xf32, #tpu.memory_space<hbm>>
    tpu.enqueue_indirect_dma source(%dma_start3A_4 : memref<100000x128xf32, #tpu.memory_space<hbm>>) target(%arg8 : memref<128x128xf32, #tpu.memory_space<vmem>>) offsets(%arg7 : memref<128xi32, #tpu.memory_space<vmem>>) semaphore(%arg19 : memref<!tpu.dma_semaphore, #tpu.memory_space<semaphore_mem>>)
    %mul3A_5 = arith.constant 6280 : i32
    %mul3A_6 = arith.muli %add3A, %mul3A_5 : i32
    "tpu.region"() ({
      %run_scoped3A = tpu.sem_alloc : memref<!tpu.dma_semaphore, #tpu.memory_space<semaphore_mem>>
      %dma_start3A_108 = tpu.memref_slice %arg3[%mul3A_6] : memref<200960xi32, #tpu.memory_space<hbm>> -> memref<6280xi32, #tpu.memory_space<hbm>>
      %dma_start3A_109 = tpu.memref_slice %arg3[%mul3A_6] : memref<200960xi32, #tpu.memory_space<hbm>> -> memref<6280xi32, #tpu.memory_space<hbm>>
      tpu.enqueue_dma source(%dma_start3A_109 : memref<6280xi32, #tpu.memory_space<hbm>>) target(%arg9 : memref<6280xi32, #tpu.memory_space<vmem>>) target_semaphore(%run_scoped3A : memref<!tpu.dma_semaphore, #tpu.memory_space<semaphore_mem>>)
      %dma_wait3A_110 = tpu.memref_slice %arg3[%mul3A_6] : memref<200960xi32, #tpu.memory_space<hbm>> -> memref<6280xi32, #tpu.memory_space<hbm>>
      %dma_wait3A_111 = tpu.memref_slice %arg3[%mul3A_6] : memref<200960xi32, #tpu.memory_space<hbm>> -> memref<6280xi32, #tpu.memory_space<hbm>>
      tpu.wait_dma2 semaphore(%run_scoped3A : memref<!tpu.dma_semaphore, #tpu.memory_space<semaphore_mem>>) src(%dma_wait3A_111 : memref<6280xi32, #tpu.memory_space<hbm>>) dst(%arg9 : memref<6280xi32, #tpu.memory_space<vmem>>)
      tpu.yield
    }) : () -> ()
    %broadcast_in_dim3A = arith.constant 0.000000e+00 : f32
    %broadcast_in_dim3A_7 = vector.broadcast %broadcast_in_dim3A : f32 to vector<16xf32>
    %scan3A = arith.constant 0 : i32
    %scan3A_8 = arith.constant 0 : i32
    %scan3A_9 = arith.constant 40 : i32
    %scan3A_10 = arith.addi %scan3A_8, %scan3A_9 : i32
    %scan3A_11 = arith.constant 1 : i32
    scf.for %scan3A_108 = %scan3A_8 to %scan3A_10 step %scan3A_11  : i32 {
      %swap3A_109 = arith.index_cast %scan3A_108 : i32 to index
      %swap3A_110 = arith.constant 0 : index
      %swap3A_111 = tpu.vector_load %arg10[%swap3A_109, %swap3A_110] {strides = array<i32>} : memref<40x128xf32, #tpu.memory_space<vmem>>, vector<1x16xf32>,
      %swap3A_112 = vector.shape_cast %swap3A_111 : vector<1x16xf32> to vector<16xf32>
      %swap3A_113 = vector.shape_cast %broadcast_in_dim3A_7 : vector<16xf32> to vector<1x16xf32>
      tpu.vector_store %arg10[%swap3A_109, %swap3A_110], %swap3A_113 {strides = array<i32>} : memref<40x128xf32, #tpu.memory_space<vmem>>, vector<1x16xf32>,
      %swap3A_114 = arith.index_cast %scan3A_108 : i32 to index
      %swap3A_115 = arith.constant 16 : index
      %swap3A_116 = tpu.vector_load %arg10[%swap3A_114, %swap3A_115] {strides = array<i32>} : memref<40x128xf32, #tpu.memory_space<vmem>>, vector<1x16xf32>,
      %swap3A_117 = vector.shape_cast %swap3A_116 : vector<1x16xf32> to vector<16xf32>
      %swap3A_118 = vector.shape_cast %broadcast_in_dim3A_7 : vector<16xf32> to vector<1x16xf32>
      tpu.vector_store %arg10[%swap3A_114, %swap3A_115], %swap3A_118 {strides = array<i32>} : memref<40x128xf32, #tpu.memory_space<vmem>>, vector<1x16xf32>,
      %swap3A_119 = arith.index_cast %scan3A_108 : i32 to index
      %swap3A_120 = arith.constant 32 : index
      %swap3A_121 = tpu.vector_load %arg10[%swap3A_119, %swap3A_120] {strides = array<i32>} : memref<40x128xf32, #tpu.memory_space<vmem>>, vector<1x16xf32>,
      %swap3A_122 = vector.shape_cast %swap3A_121 : vector<1x16xf32> to vector<16xf32>
      %swap3A_123 = vector.shape_cast %broadcast_in_dim3A_7 : vector<16xf32> to vector<1x16xf32>
      tpu.vector_store %arg10[%swap3A_119, %swap3A_120], %swap3A_123 {strides = array<i32>} : memref<40x128xf32, #tpu.memory_space<vmem>>, vector<1x16xf32>,
      %swap3A_124 = arith.index_cast %scan3A_108 : i32 to index
      %swap3A_125 = arith.constant 48 : index
      %swap3A_126 = tpu.vector_load %arg10[%swap3A_124, %swap3A_125] {strides = array<i32>} : memref<40x128xf32, #tpu.memory_space<vmem>>, vector<1x16xf32>,
      %swap3A_127 = vector.shape_cast %swap3A_126 : vector<1x16xf32> to vector<16xf32>
      %swap3A_128 = vector.shape_cast %broadcast_in_dim3A_7 : vector<16xf32> to vector<1x16xf32>
      tpu.vector_store %arg10[%swap3A_124, %swap3A_125], %swap3A_128 {strides = array<i32>} : memref<40x128xf32, #tpu.memory_space<vmem>>, vector<1x16xf32>,
      %swap3A_129 = arith.index_cast %scan3A_108 : i32 to index
      %swap3A_130 = arith.constant 64 : index
      %swap3A_131 = tpu.vector_load %arg10[%swap3A_129, %swap3A_130] {strides = array<i32>} : memref<40x128xf32, #tpu.memory_space<vmem>>, vector<1x16xf32>,
      %swap3A_132 = vector.shape_cast %swap3A_131 : vector<1x16xf32> to vector<16xf32>
      %swap3A_133 = vector.shape_cast %broadcast_in_dim3A_7 : vector<16xf32> to vector<1x16xf32>
      tpu.vector_store %arg10[%swap3A_129, %swap3A_130], %swap3A_133 {strides = array<i32>} : memref<40x128xf32, #tpu.memory_space<vmem>>, vector<1x16xf32>,
      %swap3A_134 = arith.index_cast %scan3A_108 : i32 to index
      %swap3A_135 = arith.constant 80 : index
      %swap3A_136 = tpu.vector_load %arg10[%swap3A_134, %swap3A_135] {strides = array<i32>} : memref<40x128xf32, #tpu.memory_space<vmem>>, vector<1x16xf32>,
      %swap3A_137 = vector.shape_cast %swap3A_136 : vector<1x16xf32> to vector<16xf32>
      %swap3A_138 = vector.shape_cast %broadcast_in_dim3A_7 : vector<16xf32> to vector<1x16xf32>
      tpu.vector_store %arg10[%swap3A_134, %swap3A_135], %swap3A_138 {strides = array<i32>} : memref<40x128xf32, #tpu.memory_space<vmem>>, vector<1x16xf32>,
      %swap3A_139 = arith.index_cast %scan3A_108 : i32 to index
      %swap3A_140 = arith.constant 96 : index
      %swap3A_141 = tpu.vector_load %arg10[%swap3A_139, %swap3A_140] {strides = array<i32>} : memref<40x128xf32, #tpu.memory_space<vmem>>, vector<1x16xf32>,
      %swap3A_142 = vector.shape_cast %swap3A_141 : vector<1x16xf32> to vector<16xf32>
      %swap3A_143 = vector.shape_cast %broadcast_in_dim3A_7 : vector<16xf32> to vector<1x16xf32>
      tpu.vector_store %arg10[%swap3A_139, %swap3A_140], %swap3A_143 {strides = array<i32>} : memref<40x128xf32, #tpu.memory_space<vmem>>, vector<1x16xf32>,
      %swap3A_144 = arith.index_cast %scan3A_108 : i32 to index
      %swap3A_145 = arith.constant 112 : index
      %swap3A_146 = tpu.vector_load %arg10[%swap3A_144, %swap3A_145] {strides = array<i32>} : memref<40x128xf32, #tpu.memory_space<vmem>>, vector<1x16xf32>,
      %swap3A_147 = vector.shape_cast %swap3A_146 : vector<1x16xf32> to vector<16xf32>
      %swap3A_148 = vector.shape_cast %broadcast_in_dim3A_7 : vector<16xf32> to vector<1x16xf32>
      tpu.vector_store %arg10[%swap3A_144, %swap3A_145], %swap3A_148 {strides = array<i32>} : memref<40x128xf32, #tpu.memory_space<vmem>>, vector<1x16xf32>,
      %swap3A_149 = arith.index_cast %scan3A_108 : i32 to index
      %swap3A_150 = arith.constant 0 : index
      %swap3A_151 = tpu.vector_load %arg11[%swap3A_149, %swap3A_150] {strides = array<i32>} : memref<40x128xf32, #tpu.memory_space<vmem>>, vector<1x16xf32>,
      %swap3A_152 = vector.shape_cast %swap3A_151 : vector<1x16xf32> to vector<16xf32>
      %swap3A_153 = vector.shape_cast %broadcast_in_dim3A_7 : vector<16xf32> to vector<1x16xf32>
      tpu.vector_store %arg11[%swap3A_149, %swap3A_150], %swap3A_153 {strides = array<i32>} : memref<40x128xf32, #tpu.memory_space<vmem>>, vector<1x16xf32>,
      %swap3A_154 = arith.index_cast %scan3A_108 : i32 to index
      %swap3A_155 = arith.constant 16 : index
      %swap3A_156 = tpu.vector_load %arg11[%swap3A_154, %swap3A_155] {strides = array<i32>} : memref<40x128xf32, #tpu.memory_space<vmem>>, vector<1x16xf32>,
      %swap3A_157 = vector.shape_cast %swap3A_156 : vector<1x16xf32> to vector<16xf32>
      %swap3A_158 = vector.shape_cast %broadcast_in_dim3A_7 : vector<16xf32> to vector<1x16xf32>
      tpu.vector_store %arg11[%swap3A_154, %swap3A_155], %swap3A_158 {strides = array<i32>} : memref<40x128xf32, #tpu.memory_space<vmem>>, vector<1x16xf32>,
      %swap3A_159 = arith.index_cast %scan3A_108 : i32 to index
      %swap3A_160 = arith.constant 32 : index
      %swap3A_161 = tpu.vector_load %arg11[%swap3A_159, %swap3A_160] {strides = array<i32>} : memref<40x128xf32, #tpu.memory_space<vmem>>, vector<1x16xf32>,
      %swap3A_162 = vector.shape_cast %swap3A_161 : vector<1x16xf32> to vector<16xf32>
      %swap3A_163 = vector.shape_cast %broadcast_in_dim3A_7 : vector<16xf32> to vector<1x16xf32>
      tpu.vector_store %arg11[%swap3A_159, %swap3A_160], %swap3A_163 {strides = array<i32>} : memref<40x128xf32, #tpu.memory_space<vmem>>, vector<1x16xf32>,
      %swap3A_164 = arith.index_cast %scan3A_108 : i32 to index
      %swap3A_165 = arith.constant 48 : index
      %swap3A_166 = tpu.vector_load %arg11[%swap3A_164, %swap3A_165] {strides = array<i32>} : memref<40x128xf32, #tpu.memory_space<vmem>>, vector<1x16xf32>,
      %swap3A_167 = vector.shape_cast %swap3A_166 : vector<1x16xf32> to vector<16xf32>
      %swap3A_168 = vector.shape_cast %broadcast_in_dim3A_7 : vector<16xf32> to vector<1x16xf32>
      tpu.vector_store %arg11[%swap3A_164, %swap3A_165], %swap3A_168 {strides = array<i32>} : memref<40x128xf32, #tpu.memory_space<vmem>>, vector<1x16xf32>,
      %swap3A_169 = arith.index_cast %scan3A_108 : i32 to index
      %swap3A_170 = arith.constant 64 : index
      %swap3A_171 = tpu.vector_load %arg11[%swap3A_169, %swap3A_170] {strides = array<i32>} : memref<40x128xf32, #tpu.memory_space<vmem>>, vector<1x16xf32>,
      %swap3A_172 = vector.shape_cast %swap3A_171 : vector<1x16xf32> to vector<16xf32>
      %swap3A_173 = vector.shape_cast %broadcast_in_dim3A_7 : vector<16xf32> to vector<1x16xf32>
      tpu.vector_store %arg11[%swap3A_169, %swap3A_170], %swap3A_173 {strides = array<i32>} : memref<40x128xf32, #tpu.memory_space<vmem>>, vector<1x16xf32>,
      %swap3A_174 = arith.index_cast %scan3A_108 : i32 to index
      %swap3A_175 = arith.constant 80 : index
      %swap3A_176 = tpu.vector_load %arg11[%swap3A_174, %swap3A_175] {strides = array<i32>} : memref<40x128xf32, #tpu.memory_space<vmem>>, vector<1x16xf32>,
      %swap3A_177 = vector.shape_cast %swap3A_176 : vector<1x16xf32> to vector<16xf32>
      %swap3A_178 = vector.shape_cast %broadcast_in_dim3A_7 : vector<16xf32> to vector<1x16xf32>
      tpu.vector_store %arg11[%swap3A_174, %swap3A_175], %swap3A_178 {strides = array<i32>} : memref<40x128xf32, #tpu.memory_space<vmem>>, vector<1x16xf32>,
      %swap3A_179 = arith.index_cast %scan3A_108 : i32 to index
      %swap3A_180 = arith.constant 96 : index
      %swap3A_181 = tpu.vector_load %arg11[%swap3A_179, %swap3A_180] {strides = array<i32>} : memref<40x128xf32, #tpu.memory_space<vmem>>, vector<1x16xf32>,
      %swap3A_182 = vector.shape_cast %swap3A_181 : vector<1x16xf32> to vector<16xf32>
      %swap3A_183 = vector.shape_cast %broadcast_in_dim3A_7 : vector<16xf32> to vector<1x16xf32>
      tpu.vector_store %arg11[%swap3A_179, %swap3A_180], %swap3A_183 {strides = array<i32>} : memref<40x128xf32, #tpu.memory_space<vmem>>, vector<1x16xf32>,
      %swap3A_184 = arith.index_cast %scan3A_108 : i32 to index
      %swap3A_185 = arith.constant 112 : index
      %swap3A_186 = tpu.vector_load %arg11[%swap3A_184, %swap3A_185] {strides = array<i32>} : memref<40x128xf32, #tpu.memory_space<vmem>>, vector<1x16xf32>,
      %swap3A_187 = vector.shape_cast %swap3A_186 : vector<1x16xf32> to vector<16xf32>
      %swap3A_188 = vector.shape_cast %broadcast_in_dim3A_7 : vector<16xf32> to vector<1x16xf32>
      tpu.vector_store %arg11[%swap3A_184, %swap3A_185], %swap3A_188 {strides = array<i32>} : memref<40x128xf32, #tpu.memory_space<vmem>>, vector<1x16xf32>,
      %swap3A_189 = arith.index_cast %scan3A_108 : i32 to index
      %swap3A_190 = arith.constant 0 : index
      %swap3A_191 = tpu.vector_load %arg12[%swap3A_189, %swap3A_190] {strides = array<i32>} : memref<40x128xf32, #tpu.memory_space<vmem>>, vector<1x16xf32>,
      %swap3A_192 = vector.shape_cast %swap3A_191 : vector<1x16xf32> to vector<16xf32>
      %swap3A_193 = vector.shape_cast %broadcast_in_dim3A_7 : vector<16xf32> to vector<1x16xf32>
      tpu.vector_store %arg12[%swap3A_189, %swap3A_190], %swap3A_193 {strides = array<i32>} : memref<40x128xf32, #tpu.memory_space<vmem>>, vector<1x16xf32>,
      %swap3A_194 = arith.index_cast %scan3A_108 : i32 to index
      %swap3A_195 = arith.constant 16 : index
      %swap3A_196 = tpu.vector_load %arg12[%swap3A_194, %swap3A_195] {strides = array<i32>} : memref<40x128xf32, #tpu.memory_space<vmem>>, vector<1x16xf32>,
      %swap3A_197 = vector.shape_cast %swap3A_196 : vector<1x16xf32> to vector<16xf32>
      %swap3A_198 = vector.shape_cast %broadcast_in_dim3A_7 : vector<16xf32> to vector<1x16xf32>
      tpu.vector_store %arg12[%swap3A_194, %swap3A_195], %swap3A_198 {strides = array<i32>} : memref<40x128xf32, #tpu.memory_space<vmem>>, vector<1x16xf32>,
      %swap3A_199 = arith.index_cast %scan3A_108 : i32 to index
      %swap3A_200 = arith.constant 32 : index
      %swap3A_201 = tpu.vector_load %arg12[%swap3A_199, %swap3A_200] {strides = array<i32>} : memref<40x128xf32, #tpu.memory_space<vmem>>, vector<1x16xf32>,
      %swap3A_202 = vector.shape_cast %swap3A_201 : vector<1x16xf32> to vector<16xf32>
      %swap3A_203 = vector.shape_cast %broadcast_in_dim3A_7 : vector<16xf32> to vector<1x16xf32>
      tpu.vector_store %arg12[%swap3A_199, %swap3A_200], %swap3A_203 {strides = array<i32>} : memref<40x128xf32, #tpu.memory_space<vmem>>, vector<1x16xf32>,
      %swap3A_204 = arith.index_cast %scan3A_108 : i32 to index
      %swap3A_205 = arith.constant 48 : index
      %swap3A_206 = tpu.vector_load %arg12[%swap3A_204, %swap3A_205] {strides = array<i32>} : memref<40x128xf32, #tpu.memory_space<vmem>>, vector<1x16xf32>,
      %swap3A_207 = vector.shape_cast %swap3A_206 : vector<1x16xf32> to vector<16xf32>
      %swap3A_208 = vector.shape_cast %broadcast_in_dim3A_7 : vector<16xf32> to vector<1x16xf32>
      tpu.vector_store %arg12[%swap3A_204, %swap3A_205], %swap3A_208 {strides = array<i32>} : memref<40x128xf32, #tpu.memory_space<vmem>>, vector<1x16xf32>,
      %swap3A_209 = arith.index_cast %scan3A_108 : i32 to index
      %swap3A_210 = arith.constant 64 : index
      %swap3A_211 = tpu.vector_load %arg12[%swap3A_209, %swap3A_210] {strides = array<i32>} : memref<40x128xf32, #tpu.memory_space<vmem>>, vector<1x16xf32>,
      %swap3A_212 = vector.shape_cast %swap3A_211 : vector<1x16xf32> to vector<16xf32>
      %swap3A_213 = vector.shape_cast %broadcast_in_dim3A_7 : vector<16xf32> to vector<1x16xf32>
      tpu.vector_store %arg12[%swap3A_209, %swap3A_210], %swap3A_213 {strides = array<i32>} : memref<40x128xf32, #tpu.memory_space<vmem>>, vector<1x16xf32>,
      %swap3A_214 = arith.index_cast %scan3A_108 : i32 to index
      %swap3A_215 = arith.constant 80 : index
      %swap3A_216 = tpu.vector_load %arg12[%swap3A_214, %swap3A_215] {strides = array<i32>} : memref<40x128xf32, #tpu.memory_space<vmem>>, vector<1x16xf32>,
      %swap3A_217 = vector.shape_cast %swap3A_216 : vector<1x16xf32> to vector<16xf32>
      %swap3A_218 = vector.shape_cast %broadcast_in_dim3A_7 : vector<16xf32> to vector<1x16xf32>
      tpu.vector_store %arg12[%swap3A_214, %swap3A_215], %swap3A_218 {strides = array<i32>} : memref<40x128xf32, #tpu.memory_space<vmem>>, vector<1x16xf32>,
      %swap3A_219 = arith.index_cast %scan3A_108 : i32 to index
      %swap3A_220 = arith.constant 96 : index
      %swap3A_221 = tpu.vector_load %arg12[%swap3A_219, %swap3A_220] {strides = array<i32>} : memref<40x128xf32, #tpu.memory_space<vmem>>, vector<1x16xf32>,
      %swap3A_222 = vector.shape_cast %swap3A_221 : vector<1x16xf32> to vector<16xf32>
      %swap3A_223 = vector.shape_cast %broadcast_in_dim3A_7 : vector<16xf32> to vector<1x16xf32>
      tpu.vector_store %arg12[%swap3A_219, %swap3A_220], %swap3A_223 {strides = array<i32>} : memref<40x128xf32, #tpu.memory_space<vmem>>, vector<1x16xf32>,
      %swap3A_224 = arith.index_cast %scan3A_108 : i32 to index
      %swap3A_225 = arith.constant 112 : index
      %swap3A_226 = tpu.vector_load %arg12[%swap3A_224, %swap3A_225] {strides = array<i32>} : memref<40x128xf32, #tpu.memory_space<vmem>>, vector<1x16xf32>,
      %swap3A_227 = vector.shape_cast %swap3A_226 : vector<1x16xf32> to vector<16xf32>
      %swap3A_228 = vector.shape_cast %broadcast_in_dim3A_7 : vector<16xf32> to vector<1x16xf32>
      tpu.vector_store %arg12[%swap3A_224, %swap3A_225], %swap3A_228 {strides = array<i32>} : memref<40x128xf32, #tpu.memory_space<vmem>>, vector<1x16xf32>,
      %swap3A_229 = arith.index_cast %scan3A_108 : i32 to index
      %swap3A_230 = arith.constant 0 : index
      %swap3A_231 = tpu.vector_load %arg13[%swap3A_229, %swap3A_230] {strides = array<i32>} : memref<40x128xf32, #tpu.memory_space<vmem>>, vector<1x16xf32>,
      %swap3A_232 = vector.shape_cast %swap3A_231 : vector<1x16xf32> to vector<16xf32>
      %swap3A_233 = vector.shape_cast %broadcast_in_dim3A_7 : vector<16xf32> to vector<1x16xf32>
      tpu.vector_store %arg13[%swap3A_229, %swap3A_230], %swap3A_233 {strides = array<i32>} : memref<40x128xf32, #tpu.memory_space<vmem>>, vector<1x16xf32>,
      %swap3A_234 = arith.index_cast %scan3A_108 : i32 to index
      %swap3A_235 = arith.constant 16 : index
      %swap3A_236 = tpu.vector_load %arg13[%swap3A_234, %swap3A_235] {strides = array<i32>} : memref<40x128xf32, #tpu.memory_space<vmem>>, vector<1x16xf32>,
      %swap3A_237 = vector.shape_cast %swap3A_236 : vector<1x16xf32> to vector<16xf32>
      %swap3A_238 = vector.shape_cast %broadcast_in_dim3A_7 : vector<16xf32> to vector<1x16xf32>
      tpu.vector_store %arg13[%swap3A_234, %swap3A_235], %swap3A_238 {strides = array<i32>} : memref<40x128xf32, #tpu.memory_space<vmem>>, vector<1x16xf32>,
      %swap3A_239 = arith.index_cast %scan3A_108 : i32 to index
      %swap3A_240 = arith.constant 32 : index
      %swap3A_241 = tpu.vector_load %arg13[%swap3A_239, %swap3A_240] {strides = array<i32>} : memref<40x128xf32, #tpu.memory_space<vmem>>, vector<1x16xf32>,
      %swap3A_242 = vector.shape_cast %swap3A_241 : vector<1x16xf32> to vector<16xf32>
      %swap3A_243 = vector.shape_cast %broadcast_in_dim3A_7 : vector<16xf32> to vector<1x16xf32>
      tpu.vector_store %arg13[%swap3A_239, %swap3A_240], %swap3A_243 {strides = array<i32>} : memref<40x128xf32, #tpu.memory_space<vmem>>, vector<1x16xf32>,
      %swap3A_244 = arith.index_cast %scan3A_108 : i32 to index
      %swap3A_245 = arith.constant 48 : index
      %swap3A_246 = tpu.vector_load %arg13[%swap3A_244, %swap3A_245] {strides = array<i32>} : memref<40x128xf32, #tpu.memory_space<vmem>>, vector<1x16xf32>,
      %swap3A_247 = vector.shape_cast %swap3A_246 : vector<1x16xf32> to vector<16xf32>
      %swap3A_248 = vector.shape_cast %broadcast_in_dim3A_7 : vector<16xf32> to vector<1x16xf32>
      tpu.vector_store %arg13[%swap3A_244, %swap3A_245], %swap3A_248 {strides = array<i32>} : memref<40x128xf32, #tpu.memory_space<vmem>>, vector<1x16xf32>,
      %swap3A_249 = arith.index_cast %scan3A_108 : i32 to index
      %swap3A_250 = arith.constant 64 : index
      %swap3A_251 = tpu.vector_load %arg13[%swap3A_249, %swap3A_250] {strides = array<i32>} : memref<40x128xf32, #tpu.memory_space<vmem>>, vector<1x16xf32>,
      %swap3A_252 = vector.shape_cast %swap3A_251 : vector<1x16xf32> to vector<16xf32>
      %swap3A_253 = vector.shape_cast %broadcast_in_dim3A_7 : vector<16xf32> to vector<1x16xf32>
      tpu.vector_store %arg13[%swap3A_249, %swap3A_250], %swap3A_253 {strides = array<i32>} : memref<40x128xf32, #tpu.memory_space<vmem>>, vector<1x16xf32>,
      %swap3A_254 = arith.index_cast %scan3A_108 : i32 to index
      %swap3A_255 = arith.constant 80 : index
      %swap3A_256 = tpu.vector_load %arg13[%swap3A_254, %swap3A_255] {strides = array<i32>} : memref<40x128xf32, #tpu.memory_space<vmem>>, vector<1x16xf32>,
      %swap3A_257 = vector.shape_cast %swap3A_256 : vector<1x16xf32> to vector<16xf32>
      %swap3A_258 = vector.shape_cast %broadcast_in_dim3A_7 : vector<16xf32> to vector<1x16xf32>
      tpu.vector_store %arg13[%swap3A_254, %swap3A_255], %swap3A_258 {strides = array<i32>} : memref<40x128xf32, #tpu.memory_space<vmem>>, vector<1x16xf32>,
      %swap3A_259 = arith.index_cast %scan3A_108 : i32 to index
      %swap3A_260 = arith.constant 96 : index
      %swap3A_261 = tpu.vector_load %arg13[%swap3A_259, %swap3A_260] {strides = array<i32>} : memref<40x128xf32, #tpu.memory_space<vmem>>, vector<1x16xf32>,
      %swap3A_262 = vector.shape_cast %swap3A_261 : vector<1x16xf32> to vector<16xf32>
      %swap3A_263 = vector.shape_cast %broadcast_in_dim3A_7 : vector<16xf32> to vector<1x16xf32>
      tpu.vector_store %arg13[%swap3A_259, %swap3A_260], %swap3A_263 {strides = array<i32>} : memref<40x128xf32, #tpu.memory_space<vmem>>, vector<1x16xf32>,
      %swap3A_264 = arith.index_cast %scan3A_108 : i32 to index
      %swap3A_265 = arith.constant 112 : index
      %swap3A_266 = tpu.vector_load %arg13[%swap3A_264, %swap3A_265] {strides = array<i32>} : memref<40x128xf32, #tpu.memory_space<vmem>>, vector<1x16xf32>,
      %swap3A_267 = vector.shape_cast %swap3A_266 : vector<1x16xf32> to vector<16xf32>
      %swap3A_268 = vector.shape_cast %broadcast_in_dim3A_7 : vector<16xf32> to vector<1x16xf32>
      tpu.vector_store %arg13[%swap3A_264, %swap3A_265], %swap3A_268 {strides = array<i32>} : memref<40x128xf32, #tpu.memory_space<vmem>>, vector<1x16xf32>,
      %swap3A_269 = arith.index_cast %scan3A_108 : i32 to index
      %swap3A_270 = arith.constant 0 : index
      %swap3A_271 = tpu.vector_load %arg14[%swap3A_269, %swap3A_270] {strides = array<i32>} : memref<40x128xf32, #tpu.memory_space<vmem>>, vector<1x16xf32>,
      %swap3A_272 = vector.shape_cast %swap3A_271 : vector<1x16xf32> to vector<16xf32>
      %swap3A_273 = vector.shape_cast %broadcast_in_dim3A_7 : vector<16xf32> to vector<1x16xf32>
      tpu.vector_store %arg14[%swap3A_269, %swap3A_270], %swap3A_273 {strides = array<i32>} : memref<40x128xf32, #tpu.memory_space<vmem>>, vector<1x16xf32>,
      %swap3A_274 = arith.index_cast %scan3A_108 : i32 to index
      %swap3A_275 = arith.constant 16 : index
      %swap3A_276 = tpu.vector_load %arg14[%swap3A_274, %swap3A_275] {strides = array<i32>} : memref<40x128xf32, #tpu.memory_space<vmem>>, vector<1x16xf32>,
      %swap3A_277 = vector.shape_cast %swap3A_276 : vector<1x16xf32> to vector<16xf32>
      %swap3A_278 = vector.shape_cast %broadcast_in_dim3A_7 : vector<16xf32> to vector<1x16xf32>
      tpu.vector_store %arg14[%swap3A_274, %swap3A_275], %swap3A_278 {strides = array<i32>} : memref<40x128xf32, #tpu.memory_space<vmem>>, vector<1x16xf32>,
      %swap3A_279 = arith.index_cast %scan3A_108 : i32 to index
      %swap3A_280 = arith.constant 32 : index
      %swap3A_281 = tpu.vector_load %arg14[%swap3A_279, %swap3A_280] {strides = array<i32>} : memref<40x128xf32, #tpu.memory_space<vmem>>, vector<1x16xf32>,
      %swap3A_282 = vector.shape_cast %swap3A_281 : vector<1x16xf32> to vector<16xf32>
      %swap3A_283 = vector.shape_cast %broadcast_in_dim3A_7 : vector<16xf32> to vector<1x16xf32>
      tpu.vector_store %arg14[%swap3A_279, %swap3A_280], %swap3A_283 {strides = array<i32>} : memref<40x128xf32, #tpu.memory_space<vmem>>, vector<1x16xf32>,
      %swap3A_284 = arith.index_cast %scan3A_108 : i32 to index
      %swap3A_285 = arith.constant 48 : index
      %swap3A_286 = tpu.vector_load %arg14[%swap3A_284, %swap3A_285] {strides = array<i32>} : memref<40x128xf32, #tpu.memory_space<vmem>>, vector<1x16xf32>,
      %swap3A_287 = vector.shape_cast %swap3A_286 : vector<1x16xf32> to vector<16xf32>
      %swap3A_288 = vector.shape_cast %broadcast_in_dim3A_7 : vector<16xf32> to vector<1x16xf32>
      tpu.vector_store %arg14[%swap3A_284, %swap3A_285], %swap3A_288 {strides = array<i32>} : memref<40x128xf32, #tpu.memory_space<vmem>>, vector<1x16xf32>,
      %swap3A_289 = arith.index_cast %scan3A_108 : i32 to index
      %swap3A_290 = arith.constant 64 : index
      %swap3A_291 = tpu.vector_load %arg14[%swap3A_289, %swap3A_290] {strides = array<i32>} : memref<40x128xf32, #tpu.memory_space<vmem>>, vector<1x16xf32>,
      %swap3A_292 = vector.shape_cast %swap3A_291 : vector<1x16xf32> to vector<16xf32>
      %swap3A_293 = vector.shape_cast %broadcast_in_dim3A_7 : vector<16xf32> to vector<1x16xf32>
      tpu.vector_store %arg14[%swap3A_289, %swap3A_290], %swap3A_293 {strides = array<i32>} : memref<40x128xf32, #tpu.memory_space<vmem>>, vector<1x16xf32>,
      %swap3A_294 = arith.index_cast %scan3A_108 : i32 to index
      %swap3A_295 = arith.constant 80 : index
      %swap3A_296 = tpu.vector_load %arg14[%swap3A_294, %swap3A_295] {strides = array<i32>} : memref<40x128xf32, #tpu.memory_space<vmem>>, vector<1x16xf32>,
      %swap3A_297 = vector.shape_cast %swap3A_296 : vector<1x16xf32> to vector<16xf32>
      %swap3A_298 = vector.shape_cast %broadcast_in_dim3A_7 : vector<16xf32> to vector<1x16xf32>
      tpu.vector_store %arg14[%swap3A_294, %swap3A_295], %swap3A_298 {strides = array<i32>} : memref<40x128xf32, #tpu.memory_space<vmem>>, vector<1x16xf32>,
      %swap3A_299 = arith.index_cast %scan3A_108 : i32 to index
      %swap3A_300 = arith.constant 96 : index
      %swap3A_301 = tpu.vector_load %arg14[%swap3A_299, %swap3A_300] {strides = array<i32>} : memref<40x128xf32, #tpu.memory_space<vmem>>, vector<1x16xf32>,
      %swap3A_302 = vector.shape_cast %swap3A_301 : vector<1x16xf32> to vector<16xf32>
      %swap3A_303 = vector.shape_cast %broadcast_in_dim3A_7 : vector<16xf32> to vector<1x16xf32>
      tpu.vector_store %arg14[%swap3A_299, %swap3A_300], %swap3A_303 {strides = array<i32>} : memref<40x128xf32, #tpu.memory_space<vmem>>, vector<1x16xf32>,
      %swap3A_304 = arith.index_cast %scan3A_108 : i32 to index
      %swap3A_305 = arith.constant 112 : index
      %swap3A_306 = tpu.vector_load %arg14[%swap3A_304, %swap3A_305] {strides = array<i32>} : memref<40x128xf32, #tpu.memory_space<vmem>>, vector<1x16xf32>,
      %swap3A_307 = vector.shape_cast %swap3A_306 : vector<1x16xf32> to vector<16xf32>
      %swap3A_308 = vector.shape_cast %broadcast_in_dim3A_7 : vector<16xf32> to vector<1x16xf32>
      tpu.vector_store %arg14[%swap3A_304, %swap3A_305], %swap3A_308 {strides = array<i32>} : memref<40x128xf32, #tpu.memory_space<vmem>>, vector<1x16xf32>,
      %swap3A_309 = arith.index_cast %scan3A_108 : i32 to index
      %swap3A_310 = arith.constant 0 : index
      %swap3A_311 = tpu.vector_load %arg15[%swap3A_309, %swap3A_310] {strides = array<i32>} : memref<40x128xf32, #tpu.memory_space<vmem>>, vector<1x16xf32>,
      %swap3A_312 = vector.shape_cast %swap3A_311 : vector<1x16xf32> to vector<16xf32>
      %swap3A_313 = vector.shape_cast %broadcast_in_dim3A_7 : vector<16xf32> to vector<1x16xf32>
      tpu.vector_store %arg15[%swap3A_309, %swap3A_310], %swap3A_313 {strides = array<i32>} : memref<40x128xf32, #tpu.memory_space<vmem>>, vector<1x16xf32>,
      %swap3A_314 = arith.index_cast %scan3A_108 : i32 to index
      %swap3A_315 = arith.constant 16 : index
      %swap3A_316 = tpu.vector_load %arg15[%swap3A_314, %swap3A_315] {strides = array<i32>} : memref<40x128xf32, #tpu.memory_space<vmem>>, vector<1x16xf32>,
      %swap3A_317 = vector.shape_cast %swap3A_316 : vector<1x16xf32> to vector<16xf32>
      %swap3A_318 = vector.shape_cast %broadcast_in_dim3A_7 : vector<16xf32> to vector<1x16xf32>
      tpu.vector_store %arg15[%swap3A_314, %swap3A_315], %swap3A_318 {strides = array<i32>} : memref<40x128xf32, #tpu.memory_space<vmem>>, vector<1x16xf32>,
      %swap3A_319 = arith.index_cast %scan3A_108 : i32 to index
      %swap3A_320 = arith.constant 32 : index
      %swap3A_321 = tpu.vector_load %arg15[%swap3A_319, %swap3A_320] {strides = array<i32>} : memref<40x128xf32, #tpu.memory_space<vmem>>, vector<1x16xf32>,
      %swap3A_322 = vector.shape_cast %swap3A_321 : vector<1x16xf32> to vector<16xf32>
      %swap3A_323 = vector.shape_cast %broadcast_in_dim3A_7 : vector<16xf32> to vector<1x16xf32>
      tpu.vector_store %arg15[%swap3A_319, %swap3A_320], %swap3A_323 {strides = array<i32>} : memref<40x128xf32, #tpu.memory_space<vmem>>, vector<1x16xf32>,
      %swap3A_324 = arith.index_cast %scan3A_108 : i32 to index
      %swap3A_325 = arith.constant 48 : index
      %swap3A_326 = tpu.vector_load %arg15[%swap3A_324, %swap3A_325] {strides = array<i32>} : memref<40x128xf32, #tpu.memory_space<vmem>>, vector<1x16xf32>,
      %swap3A_327 = vector.shape_cast %swap3A_326 : vector<1x16xf32> to vector<16xf32>
      %swap3A_328 = vector.shape_cast %broadcast_in_dim3A_7 : vector<16xf32> to vector<1x16xf32>
      tpu.vector_store %arg15[%swap3A_324, %swap3A_325], %swap3A_328 {strides = array<i32>} : memref<40x128xf32, #tpu.memory_space<vmem>>, vector<1x16xf32>,
      %swap3A_329 = arith.index_cast %scan3A_108 : i32 to index
      %swap3A_330 = arith.constant 64 : index
      %swap3A_331 = tpu.vector_load %arg15[%swap3A_329, %swap3A_330] {strides = array<i32>} : memref<40x128xf32, #tpu.memory_space<vmem>>, vector<1x16xf32>,
      %swap3A_332 = vector.shape_cast %swap3A_331 : vector<1x16xf32> to vector<16xf32>
      %swap3A_333 = vector.shape_cast %broadcast_in_dim3A_7 : vector<16xf32> to vector<1x16xf32>
      tpu.vector_store %arg15[%swap3A_329, %swap3A_330], %swap3A_333 {strides = array<i32>} : memref<40x128xf32, #tpu.memory_space<vmem>>, vector<1x16xf32>,
      %swap3A_334 = arith.index_cast %scan3A_108 : i32 to index
      %swap3A_335 = arith.constant 80 : index
      %swap3A_336 = tpu.vector_load %arg15[%swap3A_334, %swap3A_335] {strides = array<i32>} : memref<40x128xf32, #tpu.memory_space<vmem>>, vector<1x16xf32>,
      %swap3A_337 = vector.shape_cast %swap3A_336 : vector<1x16xf32> to vector<16xf32>
      %swap3A_338 = vector.shape_cast %broadcast_in_dim3A_7 : vector<16xf32> to vector<1x16xf32>
      tpu.vector_store %arg15[%swap3A_334, %swap3A_335], %swap3A_338 {strides = array<i32>} : memref<40x128xf32, #tpu.memory_space<vmem>>, vector<1x16xf32>,
      %swap3A_339 = arith.index_cast %scan3A_108 : i32 to index
      %swap3A_340 = arith.constant 96 : index
      %swap3A_341 = tpu.vector_load %arg15[%swap3A_339, %swap3A_340] {strides = array<i32>} : memref<40x128xf32, #tpu.memory_space<vmem>>, vector<1x16xf32>,
      %swap3A_342 = vector.shape_cast %swap3A_341 : vector<1x16xf32> to vector<16xf32>
      %swap3A_343 = vector.shape_cast %broadcast_in_dim3A_7 : vector<16xf32> to vector<1x16xf32>
      tpu.vector_store %arg15[%swap3A_339, %swap3A_340], %swap3A_343 {strides = array<i32>} : memref<40x128xf32, #tpu.memory_space<vmem>>, vector<1x16xf32>,
      %swap3A_344 = arith.index_cast %scan3A_108 : i32 to index
      %swap3A_345 = arith.constant 112 : index
      %swap3A_346 = tpu.vector_load %arg15[%swap3A_344, %swap3A_345] {strides = array<i32>} : memref<40x128xf32, #tpu.memory_space<vmem>>, vector<1x16xf32>,
      %swap3A_347 = vector.shape_cast %swap3A_346 : vector<1x16xf32> to vector<16xf32>
      %swap3A_348 = vector.shape_cast %broadcast_in_dim3A_7 : vector<16xf32> to vector<1x16xf32>
      tpu.vector_store %arg15[%swap3A_344, %swap3A_345], %swap3A_348 {strides = array<i32>} : memref<40x128xf32, #tpu.memory_space<vmem>>, vector<1x16xf32>,
      %swap3A_349 = arith.index_cast %scan3A_108 : i32 to index
      %swap3A_350 = arith.constant 0 : index
      %swap3A_351 = tpu.vector_load %arg16[%swap3A_349, %swap3A_350] {strides = array<i32>} : memref<40x128xf32, #tpu.memory_space<vmem>>, vector<1x16xf32>,
      %swap3A_352 = vector.shape_cast %swap3A_351 : vector<1x16xf32> to vector<16xf32>
      %swap3A_353 = vector.shape_cast %broadcast_in_dim3A_7 : vector<16xf32> to vector<1x16xf32>
      tpu.vector_store %arg16[%swap3A_349, %swap3A_350], %swap3A_353 {strides = array<i32>} : memref<40x128xf32, #tpu.memory_space<vmem>>, vector<1x16xf32>,
      %swap3A_354 = arith.index_cast %scan3A_108 : i32 to index
      %swap3A_355 = arith.constant 16 : index
      %swap3A_356 = tpu.vector_load %arg16[%swap3A_354, %swap3A_355] {strides = array<i32>} : memref<40x128xf32, #tpu.memory_space<vmem>>, vector<1x16xf32>,
      %swap3A_357 = vector.shape_cast %swap3A_356 : vector<1x16xf32> to vector<16xf32>
      %swap3A_358 = vector.shape_cast %broadcast_in_dim3A_7 : vector<16xf32> to vector<1x16xf32>
      tpu.vector_store %arg16[%swap3A_354, %swap3A_355], %swap3A_358 {strides = array<i32>} : memref<40x128xf32, #tpu.memory_space<vmem>>, vector<1x16xf32>,
      %swap3A_359 = arith.index_cast %scan3A_108 : i32 to index
      %swap3A_360 = arith.constant 32 : index
      %swap3A_361 = tpu.vector_load %arg16[%swap3A_359, %swap3A_360] {strides = array<i32>} : memref<40x128xf32, #tpu.memory_space<vmem>>, vector<1x16xf32>,
      %swap3A_362 = vector.shape_cast %swap3A_361 : vector<1x16xf32> to vector<16xf32>
      %swap3A_363 = vector.shape_cast %broadcast_in_dim3A_7 : vector<16xf32> to vector<1x16xf32>
      tpu.vector_store %arg16[%swap3A_359, %swap3A_360], %swap3A_363 {strides = array<i32>} : memref<40x128xf32, #tpu.memory_space<vmem>>, vector<1x16xf32>,
      %swap3A_364 = arith.index_cast %scan3A_108 : i32 to index
      %swap3A_365 = arith.constant 48 : index
      %swap3A_366 = tpu.vector_load %arg16[%swap3A_364, %swap3A_365] {strides = array<i32>} : memref<40x128xf32, #tpu.memory_space<vmem>>, vector<1x16xf32>,
      %swap3A_367 = vector.shape_cast %swap3A_366 : vector<1x16xf32> to vector<16xf32>
      %swap3A_368 = vector.shape_cast %broadcast_in_dim3A_7 : vector<16xf32> to vector<1x16xf32>
      tpu.vector_store %arg16[%swap3A_364, %swap3A_365], %swap3A_368 {strides = array<i32>} : memref<40x128xf32, #tpu.memory_space<vmem>>, vector<1x16xf32>,
      %swap3A_369 = arith.index_cast %scan3A_108 : i32 to index
      %swap3A_370 = arith.constant 64 : index
      %swap3A_371 = tpu.vector_load %arg16[%swap3A_369, %swap3A_370] {strides = array<i32>} : memref<40x128xf32, #tpu.memory_space<vmem>>, vector<1x16xf32>,
      %swap3A_372 = vector.shape_cast %swap3A_371 : vector<1x16xf32> to vector<16xf32>
      %swap3A_373 = vector.shape_cast %broadcast_in_dim3A_7 : vector<16xf32> to vector<1x16xf32>
      tpu.vector_store %arg16[%swap3A_369, %swap3A_370], %swap3A_373 {strides = array<i32>} : memref<40x128xf32, #tpu.memory_space<vmem>>, vector<1x16xf32>,
      %swap3A_374 = arith.index_cast %scan3A_108 : i32 to index
      %swap3A_375 = arith.constant 80 : index
      %swap3A_376 = tpu.vector_load %arg16[%swap3A_374, %swap3A_375] {strides = array<i32>} : memref<40x128xf32, #tpu.memory_space<vmem>>, vector<1x16xf32>,
      %swap3A_377 = vector.shape_cast %swap3A_376 : vector<1x16xf32> to vector<16xf32>
      %swap3A_378 = vector.shape_cast %broadcast_in_dim3A_7 : vector<16xf32> to vector<1x16xf32>
      tpu.vector_store %arg16[%swap3A_374, %swap3A_375], %swap3A_378 {strides = array<i32>} : memref<40x128xf32, #tpu.memory_space<vmem>>, vector<1x16xf32>,
      %swap3A_379 = arith.index_cast %scan3A_108 : i32 to index
      %swap3A_380 = arith.constant 96 : index
      %swap3A_381 = tpu.vector_load %arg16[%swap3A_379, %swap3A_380] {strides = array<i32>} : memref<40x128xf32, #tpu.memory_space<vmem>>, vector<1x16xf32>,
      %swap3A_382 = vector.shape_cast %swap3A_381 : vector<1x16xf32> to vector<16xf32>
      %swap3A_383 = vector.shape_cast %broadcast_in_dim3A_7 : vector<16xf32> to vector<1x16xf32>
      tpu.vector_store %arg16[%swap3A_379, %swap3A_380], %swap3A_383 {strides = array<i32>} : memref<40x128xf32, #tpu.memory_space<vmem>>, vector<1x16xf32>,
      %swap3A_384 = arith.index_cast %scan3A_108 : i32 to index
      %swap3A_385 = arith.constant 112 : index
      %swap3A_386 = tpu.vector_load %arg16[%swap3A_384, %swap3A_385] {strides = array<i32>} : memref<40x128xf32, #tpu.memory_space<vmem>>, vector<1x16xf32>,
      %swap3A_387 = vector.shape_cast %swap3A_386 : vector<1x16xf32> to vector<16xf32>
      %swap3A_388 = vector.shape_cast %broadcast_in_dim3A_7 : vector<16xf32> to vector<1x16xf32>
      tpu.vector_store %arg16[%swap3A_384, %swap3A_385], %swap3A_388 {strides = array<i32>} : memref<40x128xf32, #tpu.memory_space<vmem>>, vector<1x16xf32>,
      %swap3A_389 = arith.index_cast %scan3A_108 : i32 to index
      %swap3A_390 = arith.constant 0 : index
      %swap3A_391 = tpu.vector_load %arg17[%swap3A_389, %swap3A_390] {strides = array<i32>} : memref<40x128xf32, #tpu.memory_space<vmem>>, vector<1x16xf32>,
      %swap3A_392 = vector.shape_cast %swap3A_391 : vector<1x16xf32> to vector<16xf32>
      %swap3A_393 = vector.shape_cast %broadcast_in_dim3A_7 : vector<16xf32> to vector<1x16xf32>
      tpu.vector_store %arg17[%swap3A_389, %swap3A_390], %swap3A_393 {strides = array<i32>} : memref<40x128xf32, #tpu.memory_space<vmem>>, vector<1x16xf32>,
      %swap3A_394 = arith.index_cast %scan3A_108 : i32 to index
      %swap3A_395 = arith.constant 16 : index
      %swap3A_396 = tpu.vector_load %arg17[%swap3A_394, %swap3A_395] {strides = array<i32>} : memref<40x128xf32, #tpu.memory_space<vmem>>, vector<1x16xf32>,
      %swap3A_397 = vector.shape_cast %swap3A_396 : vector<1x16xf32> to vector<16xf32>
      %swap3A_398 = vector.shape_cast %broadcast_in_dim3A_7 : vector<16xf32> to vector<1x16xf32>
      tpu.vector_store %arg17[%swap3A_394, %swap3A_395], %swap3A_398 {strides = array<i32>} : memref<40x128xf32, #tpu.memory_space<vmem>>, vector<1x16xf32>,
      %swap3A_399 = arith.index_cast %scan3A_108 : i32 to index
      %swap3A_400 = arith.constant 32 : index
      %swap3A_401 = tpu.vector_load %arg17[%swap3A_399, %swap3A_400] {strides = array<i32>} : memref<40x128xf32, #tpu.memory_space<vmem>>, vector<1x16xf32>,
      %swap3A_402 = vector.shape_cast %swap3A_401 : vector<1x16xf32> to vector<16xf32>
      %swap3A_403 = vector.shape_cast %broadcast_in_dim3A_7 : vector<16xf32> to vector<1x16xf32>
      tpu.vector_store %arg17[%swap3A_399, %swap3A_400], %swap3A_403 {strides = array<i32>} : memref<40x128xf32, #tpu.memory_space<vmem>>, vector<1x16xf32>,
      %swap3A_404 = arith.index_cast %scan3A_108 : i32 to index
      %swap3A_405 = arith.constant 48 : index
      %swap3A_406 = tpu.vector_load %arg17[%swap3A_404, %swap3A_405] {strides = array<i32>} : memref<40x128xf32, #tpu.memory_space<vmem>>, vector<1x16xf32>,
      %swap3A_407 = vector.shape_cast %swap3A_406 : vector<1x16xf32> to vector<16xf32>
      %swap3A_408 = vector.shape_cast %broadcast_in_dim3A_7 : vector<16xf32> to vector<1x16xf32>
      tpu.vector_store %arg17[%swap3A_404, %swap3A_405], %swap3A_408 {strides = array<i32>} : memref<40x128xf32, #tpu.memory_space<vmem>>, vector<1x16xf32>,
      %swap3A_409 = arith.index_cast %scan3A_108 : i32 to index
      %swap3A_410 = arith.constant 64 : index
      %swap3A_411 = tpu.vector_load %arg17[%swap3A_409, %swap3A_410] {strides = array<i32>} : memref<40x128xf32, #tpu.memory_space<vmem>>, vector<1x16xf32>,
      %swap3A_412 = vector.shape_cast %swap3A_411 : vector<1x16xf32> to vector<16xf32>
      %swap3A_413 = vector.shape_cast %broadcast_in_dim3A_7 : vector<16xf32> to vector<1x16xf32>
      tpu.vector_store %arg17[%swap3A_409, %swap3A_410], %swap3A_413 {strides = array<i32>} : memref<40x128xf32, #tpu.memory_space<vmem>>, vector<1x16xf32>,
      %swap3A_414 = arith.index_cast %scan3A_108 : i32 to index
      %swap3A_415 = arith.constant 80 : index
      %swap3A_416 = tpu.vector_load %arg17[%swap3A_414, %swap3A_415] {strides = array<i32>} : memref<40x128xf32, #tpu.memory_space<vmem>>, vector<1x16xf32>,
      %swap3A_417 = vector.shape_cast %swap3A_416 : vector<1x16xf32> to vector<16xf32>
      %swap3A_418 = vector.shape_cast %broadcast_in_dim3A_7 : vector<16xf32> to vector<1x16xf32>
      tpu.vector_store %arg17[%swap3A_414, %swap3A_415], %swap3A_418 {strides = array<i32>} : memref<40x128xf32, #tpu.memory_space<vmem>>, vector<1x16xf32>,
      %swap3A_419 = arith.index_cast %scan3A_108 : i32 to index
      %swap3A_420 = arith.constant 96 : index
      %swap3A_421 = tpu.vector_load %arg17[%swap3A_419, %swap3A_420] {strides = array<i32>} : memref<40x128xf32, #tpu.memory_space<vmem>>, vector<1x16xf32>,
      %swap3A_422 = vector.shape_cast %swap3A_421 : vector<1x16xf32> to vector<16xf32>
      %swap3A_423 = vector.shape_cast %broadcast_in_dim3A_7 : vector<16xf32> to vector<1x16xf32>
      tpu.vector_store %arg17[%swap3A_419, %swap3A_420], %swap3A_423 {strides = array<i32>} : memref<40x128xf32, #tpu.memory_space<vmem>>, vector<1x16xf32>,
      %swap3A_424 = arith.index_cast %scan3A_108 : i32 to index
      %swap3A_425 = arith.constant 112 : index
      %swap3A_426 = tpu.vector_load %arg17[%swap3A_424, %swap3A_425] {strides = array<i32>} : memref<40x128xf32, #tpu.memory_space<vmem>>, vector<1x16xf32>,
      %swap3A_427 = vector.shape_cast %swap3A_426 : vector<1x16xf32> to vector<16xf32>
      %swap3A_428 = vector.shape_cast %broadcast_in_dim3A_7 : vector<16xf32> to vector<1x16xf32>
      tpu.vector_store %arg17[%swap3A_424, %swap3A_425], %swap3A_428 {strides = array<i32>} : memref<40x128xf32, #tpu.memory_space<vmem>>, vector<1x16xf32>,
    }
    %scan3A_12 = arith.constant 40 : i32
    %scan3A_13 = arith.constant 0 : i32
    %scan3A_14 = arith.constant 0 : i32
    %scan3A_15 = arith.constant 19 : i32
    %scan3A_16 = arith.addi %scan3A_14, %scan3A_15 : i32
    %scan3A_17 = arith.constant 1 : i32
    scf.for %scan3A_108 = %scan3A_14 to %scan3A_16 step %scan3A_17  : i32 {
      %mul3A_109 = arith.constant 8 : i32
      %mul3A_110 = arith.muli %mul3A_109, %scan3A_108 : i32
      %add3A_111 = arith.constant 0 : i32
      %add3A_112 = arith.addi %mul3A_110, %add3A_111 : i32
      %mul3A_113 = arith.constant 40 : i32
      %mul3A_114 = arith.muli %add3A_112, %mul3A_113 : i32
      %dma_start3A_115 = tpu.memref_slice %arg9[%mul3A_114] : memref<6280xi32, #tpu.memory_space<vmem>> -> memref<40xi32, #tpu.memory_space<vmem>>
      %dma_start3A_116 = arith.constant 0 : i32
      %dma_start3A_117 = arith.constant 0 : i32
      %dma_start3A_118 = tpu.memref_slice %arg4[%dma_start3A_116, %dma_start3A_117] : memref<100000x128xf32, #tpu.memory_space<hbm>> -> memref<100000x128xf32, #tpu.memory_space<hbm>>
      tpu.enqueue_indirect_dma source(%dma_start3A_118 : memref<100000x128xf32, #tpu.memory_space<hbm>>) target(%arg10 : memref<40x128xf32, #tpu.memory_space<vmem>>) offsets(%dma_start3A_115 : memref<40xi32, #tpu.memory_space<vmem>>) semaphore(%arg20 : memref<!tpu.dma_semaphore, #tpu.memory_space<semaphore_mem>>) {add = true}
      %add3A_119 = arith.constant 1 : i32
      %add3A_120 = arith.addi %mul3A_110, %add3A_119 : i32
      %mul3A_121 = arith.constant 40 : i32
      %mul3A_122 = arith.muli %add3A_120, %mul3A_121 : i32
      %dma_start3A_123 = tpu.memref_slice %arg9[%mul3A_122] : memref<6280xi32, #tpu.memory_space<vmem>> -> memref<40xi32, #tpu.memory_space<vmem>>
      %dma_start3A_124 = arith.constant 0 : i32
      %dma_start3A_125 = arith.constant 0 : i32
      %dma_start3A_126 = tpu.memref_slice %arg4[%dma_start3A_124, %dma_start3A_125] : memref<100000x128xf32, #tpu.memory_space<hbm>> -> memref<100000x128xf32, #tpu.memory_space<hbm>>
      tpu.enqueue_indirect_dma source(%dma_start3A_126 : memref<100000x128xf32, #tpu.memory_space<hbm>>) target(%arg11 : memref<40x128xf32, #tpu.memory_space<vmem>>) offsets(%dma_start3A_123 : memref<40xi32, #tpu.memory_space<vmem>>) semaphore(%arg21 : memref<!tpu.dma_semaphore, #tpu.memory_space<semaphore_mem>>) {add = true}
      %add3A_127 = arith.constant 2 : i32
      %add3A_128 = arith.addi %mul3A_110, %add3A_127 : i32
      %mul3A_129 = arith.constant 40 : i32
      %mul3A_130 = arith.muli %add3A_128, %mul3A_129 : i32
      %dma_start3A_131 = tpu.memref_slice %arg9[%mul3A_130] : memref<6280xi32, #tpu.memory_space<vmem>> -> memref<40xi32, #tpu.memory_space<vmem>>
      %dma_start3A_132 = arith.constant 0 : i32
      %dma_start3A_133 = arith.constant 0 : i32
      %dma_start3A_134 = tpu.memref_slice %arg4[%dma_start3A_132, %dma_start3A_133] : memref<100000x128xf32, #tpu.memory_space<hbm>> -> memref<100000x128xf32, #tpu.memory_space<hbm>>
      tpu.enqueue_indirect_dma source(%dma_start3A_134 : memref<100000x128xf32, #tpu.memory_space<hbm>>) target(%arg12 : memref<40x128xf32, #tpu.memory_space<vmem>>) offsets(%dma_start3A_131 : memref<40xi32, #tpu.memory_space<vmem>>) semaphore(%arg22 : memref<!tpu.dma_semaphore, #tpu.memory_space<semaphore_mem>>) {add = true}
      %add3A_135 = arith.constant 3 : i32
      %add3A_136 = arith.addi %mul3A_110, %add3A_135 : i32
      %mul3A_137 = arith.constant 40 : i32
      %mul3A_138 = arith.muli %add3A_136, %mul3A_137 : i32
      %dma_start3A_139 = tpu.memref_slice %arg9[%mul3A_138] : memref<6280xi32, #tpu.memory_space<vmem>> -> memref<40xi32, #tpu.memory_space<vmem>>
      %dma_start3A_140 = arith.constant 0 : i32
      %dma_start3A_141 = arith.constant 0 : i32
      %dma_start3A_142 = tpu.memref_slice %arg4[%dma_start3A_140, %dma_start3A_141] : memref<100000x128xf32, #tpu.memory_space<hbm>> -> memref<100000x128xf32, #tpu.memory_space<hbm>>
      tpu.enqueue_indirect_dma source(%dma_start3A_142 : memref<100000x128xf32, #tpu.memory_space<hbm>>) target(%arg13 : memref<40x128xf32, #tpu.memory_space<vmem>>) offsets(%dma_start3A_139 : memref<40xi32, #tpu.memory_space<vmem>>) semaphore(%arg23 : memref<!tpu.dma_semaphore, #tpu.memory_space<semaphore_mem>>) {add = true}
      %add3A_143 = arith.constant 4 : i32
      %add3A_144 = arith.addi %mul3A_110, %add3A_143 : i32
      %mul3A_145 = arith.constant 40 : i32
      %mul3A_146 = arith.muli %add3A_144, %mul3A_145 : i32
      %dma_start3A_147 = tpu.memref_slice %arg9[%mul3A_146] : memref<6280xi32, #tpu.memory_space<vmem>> -> memref<40xi32, #tpu.memory_space<vmem>>
      %dma_start3A_148 = arith.constant 0 : i32
      %dma_start3A_149 = arith.constant 0 : i32
      %dma_start3A_150 = tpu.memref_slice %arg4[%dma_start3A_148, %dma_start3A_149] : memref<100000x128xf32, #tpu.memory_space<hbm>> -> memref<100000x128xf32, #tpu.memory_space<hbm>>
      tpu.enqueue_indirect_dma source(%dma_start3A_150 : memref<100000x128xf32, #tpu.memory_space<hbm>>) target(%arg14 : memref<40x128xf32, #tpu.memory_space<vmem>>) offsets(%dma_start3A_147 : memref<40xi32, #tpu.memory_space<vmem>>) semaphore(%arg24 : memref<!tpu.dma_semaphore, #tpu.memory_space<semaphore_mem>>) {add = true}
      %add3A_151 = arith.constant 5 : i32
      %add3A_152 = arith.addi %mul3A_110, %add3A_151 : i32
      %mul3A_153 = arith.constant 40 : i32
      %mul3A_154 = arith.muli %add3A_152, %mul3A_153 : i32
      %dma_start3A_155 = tpu.memref_slice %arg9[%mul3A_154] : memref<6280xi32, #tpu.memory_space<vmem>> -> memref<40xi32, #tpu.memory_space<vmem>>
      %dma_start3A_156 = arith.constant 0 : i32
      %dma_start3A_157 = arith.constant 0 : i32
      %dma_start3A_158 = tpu.memref_slice %arg4[%dma_start3A_156, %dma_start3A_157] : memref<100000x128xf32, #tpu.memory_space<hbm>> -> memref<100000x128xf32, #tpu.memory_space<hbm>>
      tpu.enqueue_indirect_dma source(%dma_start3A_158 : memref<100000x128xf32, #tpu.memory_space<hbm>>) target(%arg15 : memref<40x128xf32, #tpu.memory_space<vmem>>) offsets(%dma_start3A_155 : memref<40xi32, #tpu.memory_space<vmem>>) semaphore(%arg25 : memref<!tpu.dma_semaphore, #tpu.memory_space<semaphore_mem>>) {add = true}
      %add3A_159 = arith.constant 6 : i32
      %add3A_160 = arith.addi %mul3A_110, %add3A_159 : i32
      %mul3A_161 = arith.constant 40 : i32
      %mul3A_162 = arith.muli %add3A_160, %mul3A_161 : i32
      %dma_start3A_163 = tpu.memref_slice %arg9[%mul3A_162] : memref<6280xi32, #tpu.memory_space<vmem>> -> memref<40xi32, #tpu.memory_space<vmem>>
      %dma_start3A_164 = arith.constant 0 : i32
      %dma_start3A_165 = arith.constant 0 : i32
      %dma_start3A_166 = tpu.memref_slice %arg4[%dma_start3A_164, %dma_start3A_165] : memref<100000x128xf32, #tpu.memory_space<hbm>> -> memref<100000x128xf32, #tpu.memory_space<hbm>>
      tpu.enqueue_indirect_dma source(%dma_start3A_166 : memref<100000x128xf32, #tpu.memory_space<hbm>>) target(%arg16 : memref<40x128xf32, #tpu.memory_space<vmem>>) offsets(%dma_start3A_163 : memref<40xi32, #tpu.memory_space<vmem>>) semaphore(%arg26 : memref<!tpu.dma_semaphore, #tpu.memory_space<semaphore_mem>>) {add = true}
      %add3A_167 = arith.constant 7 : i32
      %add3A_168 = arith.addi %mul3A_110, %add3A_167 : i32
      %mul3A_169 = arith.constant 40 : i32
      %mul3A_170 = arith.muli %add3A_168, %mul3A_169 : i32
      %dma_start3A_171 = tpu.memref_slice %arg9[%mul3A_170] : memref<6280xi32, #tpu.memory_space<vmem>> -> memref<40xi32, #tpu.memory_space<vmem>>
      %dma_start3A_172 = arith.constant 0 : i32
      %dma_start3A_173 = arith.constant 0 : i32
      %dma_start3A_174 = tpu.memref_slice %arg4[%dma_start3A_172, %dma_start3A_173] : memref<100000x128xf32, #tpu.memory_space<hbm>> -> memref<100000x128xf32, #tpu.memory_space<hbm>>
      tpu.enqueue_indirect_dma source(%dma_start3A_174 : memref<100000x128xf32, #tpu.memory_space<hbm>>) target(%arg17 : memref<40x128xf32, #tpu.memory_space<vmem>>) offsets(%dma_start3A_171 : memref<40xi32, #tpu.memory_space<vmem>>) semaphore(%arg27 : memref<!tpu.dma_semaphore, #tpu.memory_space<semaphore_mem>>) {add = true}
      %dma_wait3A_175 = tpu.memref_slice %arg9[%mul3A_114] : memref<6280xi32, #tpu.memory_space<vmem>> -> memref<40xi32, #tpu.memory_space<vmem>>
      %dma_wait3A_176 = arith.constant 0 : i32
      %dma_wait3A_177 = arith.constant 0 : i32
      %dma_wait3A_178 = tpu.memref_slice %arg4[%dma_wait3A_176, %dma_wait3A_177] : memref<100000x128xf32, #tpu.memory_space<hbm>> -> memref<100000x128xf32, #tpu.memory_space<hbm>>
      tpu.wait_indirect_dma semaphore(%arg20 : memref<!tpu.dma_semaphore, #tpu.memory_space<semaphore_mem>>) src(%dma_wait3A_178 : memref<100000x128xf32, #tpu.memory_space<hbm>>) dst(%arg10 : memref<40x128xf32, #tpu.memory_space<vmem>>)
      %dma_wait3A_179 = tpu.memref_slice %arg9[%mul3A_122] : memref<6280xi32, #tpu.memory_space<vmem>> -> memref<40xi32, #tpu.memory_space<vmem>>
      %dma_wait3A_180 = arith.constant 0 : i32
      %dma_wait3A_181 = arith.constant 0 : i32
      %dma_wait3A_182 = tpu.memref_slice %arg4[%dma_wait3A_180, %dma_wait3A_181] : memref<100000x128xf32, #tpu.memory_space<hbm>> -> memref<100000x128xf32, #tpu.memory_space<hbm>>
      tpu.wait_indirect_dma semaphore(%arg21 : memref<!tpu.dma_semaphore, #tpu.memory_space<semaphore_mem>>) src(%dma_wait3A_182 : memref<100000x128xf32, #tpu.memory_space<hbm>>) dst(%arg11 : memref<40x128xf32, #tpu.memory_space<vmem>>)
      %dma_wait3A_183 = tpu.memref_slice %arg9[%mul3A_130] : memref<6280xi32, #tpu.memory_space<vmem>> -> memref<40xi32, #tpu.memory_space<vmem>>
      %dma_wait3A_184 = arith.constant 0 : i32
      %dma_wait3A_185 = arith.constant 0 : i32
      %dma_wait3A_186 = tpu.memref_slice %arg4[%dma_wait3A_184, %dma_wait3A_185] : memref<100000x128xf32, #tpu.memory_space<hbm>> -> memref<100000x128xf32, #tpu.memory_space<hbm>>
      tpu.wait_indirect_dma semaphore(%arg22 : memref<!tpu.dma_semaphore, #tpu.memory_space<semaphore_mem>>) src(%dma_wait3A_186 : memref<100000x128xf32, #tpu.memory_space<hbm>>) dst(%arg12 : memref<40x128xf32, #tpu.memory_space<vmem>>)
      %dma_wait3A_187 = tpu.memref_slice %arg9[%mul3A_138] : memref<6280xi32, #tpu.memory_space<vmem>> -> memref<40xi32, #tpu.memory_space<vmem>>
      %dma_wait3A_188 = arith.constant 0 : i32
      %dma_wait3A_189 = arith.constant 0 : i32
      %dma_wait3A_190 = tpu.memref_slice %arg4[%dma_wait3A_188, %dma_wait3A_189] : memref<100000x128xf32, #tpu.memory_space<hbm>> -> memref<100000x128xf32, #tpu.memory_space<hbm>>
      tpu.wait_indirect_dma semaphore(%arg23 : memref<!tpu.dma_semaphore, #tpu.memory_space<semaphore_mem>>) src(%dma_wait3A_190 : memref<100000x128xf32, #tpu.memory_space<hbm>>) dst(%arg13 : memref<40x128xf32, #tpu.memory_space<vmem>>)
      %dma_wait3A_191 = tpu.memref_slice %arg9[%mul3A_146] : memref<6280xi32, #tpu.memory_space<vmem>> -> memref<40xi32, #tpu.memory_space<vmem>>
      %dma_wait3A_192 = arith.constant 0 : i32
      %dma_wait3A_193 = arith.constant 0 : i32
      %dma_wait3A_194 = tpu.memref_slice %arg4[%dma_wait3A_192, %dma_wait3A_193] : memref<100000x128xf32, #tpu.memory_space<hbm>> -> memref<100000x128xf32, #tpu.memory_space<hbm>>
      tpu.wait_indirect_dma semaphore(%arg24 : memref<!tpu.dma_semaphore, #tpu.memory_space<semaphore_mem>>) src(%dma_wait3A_194 : memref<100000x128xf32, #tpu.memory_space<hbm>>) dst(%arg14 : memref<40x128xf32, #tpu.memory_space<vmem>>)
      %dma_wait3A_195 = tpu.memref_slice %arg9[%mul3A_154] : memref<6280xi32, #tpu.memory_space<vmem>> -> memref<40xi32, #tpu.memory_space<vmem>>
      %dma_wait3A_196 = arith.constant 0 : i32
      %dma_wait3A_197 = arith.constant 0 : i32
      %dma_wait3A_198 = tpu.memref_slice %arg4[%dma_wait3A_196, %dma_wait3A_197] : memref<100000x128xf32, #tpu.memory_space<hbm>> -> memref<100000x128xf32, #tpu.memory_space<hbm>>
      tpu.wait_indirect_dma semaphore(%arg25 : memref<!tpu.dma_semaphore, #tpu.memory_space<semaphore_mem>>) src(%dma_wait3A_198 : memref<100000x128xf32, #tpu.memory_space<hbm>>) dst(%arg15 : memref<40x128xf32, #tpu.memory_space<vmem>>)
      %dma_wait3A_199 = tpu.memref_slice %arg9[%mul3A_162] : memref<6280xi32, #tpu.memory_space<vmem>> -> memref<40xi32, #tpu.memory_space<vmem>>
      %dma_wait3A_200 = arith.constant 0 : i32
      %dma_wait3A_201 = arith.constant 0 : i32
      %dma_wait3A_202 = tpu.memref_slice %arg4[%dma_wait3A_200, %dma_wait3A_201] : memref<100000x128xf32, #tpu.memory_space<hbm>> -> memref<100000x128xf32, #tpu.memory_space<hbm>>
      tpu.wait_indirect_dma semaphore(%arg26 : memref<!tpu.dma_semaphore, #tpu.memory_space<semaphore_mem>>) src(%dma_wait3A_202 : memref<100000x128xf32, #tpu.memory_space<hbm>>) dst(%arg16 : memref<40x128xf32, #tpu.memory_space<vmem>>)
      %dma_wait3A_203 = tpu.memref_slice %arg9[%mul3A_170] : memref<6280xi32, #tpu.memory_space<vmem>> -> memref<40xi32, #tpu.memory_space<vmem>>
      %dma_wait3A_204 = arith.constant 0 : i32
      %dma_wait3A_205 = arith.constant 0 : i32
      %dma_wait3A_206 = tpu.memref_slice %arg4[%dma_wait3A_204, %dma_wait3A_205] : memref<100000x128xf32, #tpu.memory_space<hbm>> -> memref<100000x128xf32, #tpu.memory_space<hbm>>
      tpu.wait_indirect_dma semaphore(%arg27 : memref<!tpu.dma_semaphore, #tpu.memory_space<semaphore_mem>>) src(%dma_wait3A_206 : memref<100000x128xf32, #tpu.memory_space<hbm>>) dst(%arg17 : memref<40x128xf32, #tpu.memory_space<vmem>>)
    }
    %scan3A_18 = arith.constant 19 : i32
    %dma_start3A_19 = arith.constant 6080 : i32
    %dma_start3A_20 = tpu.memref_slice %arg9[%dma_start3A_19] : memref<6280xi32, #tpu.memory_space<vmem>> -> memref<40xi32, #tpu.memory_space<vmem>>
    %dma_start3A_21 = arith.constant 0 : i32
    %dma_start3A_22 = arith.constant 0 : i32
    %dma_start3A_23 = tpu.memref_slice %arg4[%dma_start3A_21, %dma_start3A_22] : memref<100000x128xf32, #tpu.memory_space<hbm>> -> memref<100000x128xf32, #tpu.memory_space<hbm>>
    tpu.enqueue_indirect_dma source(%dma_start3A_23 : memref<100000x128xf32, #tpu.memory_space<hbm>>) target(%arg10 : memref<40x128xf32, #tpu.memory_space<vmem>>) offsets(%dma_start3A_20 : memref<40xi32, #tpu.memory_space<vmem>>) semaphore(%arg20 : memref<!tpu.dma_semaphore, #tpu.memory_space<semaphore_mem>>) {add = true}
    %dma_start3A_24 = arith.constant 6120 : i32
    %dma_start3A_25 = tpu.memref_slice %arg9[%dma_start3A_24] : memref<6280xi32, #tpu.memory_space<vmem>> -> memref<40xi32, #tpu.memory_space<vmem>>
    %dma_start3A_26 = arith.constant 0 : i32
    %dma_start3A_27 = arith.constant 0 : i32
    %dma_start3A_28 = tpu.memref_slice %arg4[%dma_start3A_26, %dma_start3A_27] : memref<100000x128xf32, #tpu.memory_space<hbm>> -> memref<100000x128xf32, #tpu.memory_space<hbm>>
    tpu.enqueue_indirect_dma source(%dma_start3A_28 : memref<100000x128xf32, #tpu.memory_space<hbm>>) target(%arg11 : memref<40x128xf32, #tpu.memory_space<vmem>>) offsets(%dma_start3A_25 : memref<40xi32, #tpu.memory_space<vmem>>) semaphore(%arg21 : memref<!tpu.dma_semaphore, #tpu.memory_space<semaphore_mem>>) {add = true}
    %dma_start3A_29 = arith.constant 6160 : i32
    %dma_start3A_30 = tpu.memref_slice %arg9[%dma_start3A_29] : memref<6280xi32, #tpu.memory_space<vmem>> -> memref<40xi32, #tpu.memory_space<vmem>>
    %dma_start3A_31 = arith.constant 0 : i32
    %dma_start3A_32 = arith.constant 0 : i32
    %dma_start3A_33 = tpu.memref_slice %arg4[%dma_start3A_31, %dma_start3A_32] : memref<100000x128xf32, #tpu.memory_space<hbm>> -> memref<100000x128xf32, #tpu.memory_space<hbm>>
    tpu.enqueue_indirect_dma source(%dma_start3A_33 : memref<100000x128xf32, #tpu.memory_space<hbm>>) target(%arg12 : memref<40x128xf32, #tpu.memory_space<vmem>>) offsets(%dma_start3A_30 : memref<40xi32, #tpu.memory_space<vmem>>) semaphore(%arg22 : memref<!tpu.dma_semaphore, #tpu.memory_space<semaphore_mem>>) {add = true}
    %dma_start3A_34 = arith.constant 6200 : i32
    %dma_start3A_35 = tpu.memref_slice %arg9[%dma_start3A_34] : memref<6280xi32, #tpu.memory_space<vmem>> -> memref<40xi32, #tpu.memory_space<vmem>>
    %dma_start3A_36 = arith.constant 0 : i32
    %dma_start3A_37 = arith.constant 0 : i32
    %dma_start3A_38 = tpu.memref_slice %arg4[%dma_start3A_36, %dma_start3A_37] : memref<100000x128xf32, #tpu.memory_space<hbm>> -> memref<100000x128xf32, #tpu.memory_space<hbm>>
    tpu.enqueue_indirect_dma source(%dma_start3A_38 : memref<100000x128xf32, #tpu.memory_space<hbm>>) target(%arg13 : memref<40x128xf32, #tpu.memory_space<vmem>>) offsets(%dma_start3A_35 : memref<40xi32, #tpu.memory_space<vmem>>) semaphore(%arg23 : memref<!tpu.dma_semaphore, #tpu.memory_space<semaphore_mem>>) {add = true}
    %dma_start3A_39 = arith.constant 6240 : i32
    %dma_start3A_40 = tpu.memref_slice %arg9[%dma_start3A_39] : memref<6280xi32, #tpu.memory_space<vmem>> -> memref<40xi32, #tpu.memory_space<vmem>>
    %dma_start3A_41 = arith.constant 0 : i32
    %dma_start3A_42 = arith.constant 0 : i32
    %dma_start3A_43 = tpu.memref_slice %arg4[%dma_start3A_41, %dma_start3A_42] : memref<100000x128xf32, #tpu.memory_space<hbm>> -> memref<100000x128xf32, #tpu.memory_space<hbm>>
    tpu.enqueue_indirect_dma source(%dma_start3A_43 : memref<100000x128xf32, #tpu.memory_space<hbm>>) target(%arg14 : memref<40x128xf32, #tpu.memory_space<vmem>>) offsets(%dma_start3A_40 : memref<40xi32, #tpu.memory_space<vmem>>) semaphore(%arg24 : memref<!tpu.dma_semaphore, #tpu.memory_space<semaphore_mem>>) {add = true}
    %dma_wait3A = arith.constant 6080 : i32
    %dma_wait3A_44 = tpu.memref_slice %arg9[%dma_wait3A] : memref<6280xi32, #tpu.memory_space<vmem>> -> memref<40xi32, #tpu.memory_space<vmem>>
    %dma_wait3A_45 = arith.constant 0 : i32
    %dma_wait3A_46 = arith.constant 0 : i32
    %dma_wait3A_47 = tpu.memref_slice %arg4[%dma_wait3A_45, %dma_wait3A_46] : memref<100000x128xf32, #tpu.memory_space<hbm>> -> memref<100000x128xf32, #tpu.memory_space<hbm>>
    tpu.wait_indirect_dma semaphore(%arg20 : memref<!tpu.dma_semaphore, #tpu.memory_space<semaphore_mem>>) src(%dma_wait3A_47 : memref<100000x128xf32, #tpu.memory_space<hbm>>) dst(%arg10 : memref<40x128xf32, #tpu.memory_space<vmem>>)
    %dma_wait3A_48 = arith.constant 6120 : i32
    %dma_wait3A_49 = tpu.memref_slice %arg9[%dma_wait3A_48] : memref<6280xi32, #tpu.memory_space<vmem>> -> memref<40xi32, #tpu.memory_space<vmem>>
    %dma_wait3A_50 = arith.constant 0 : i32
    %dma_wait3A_51 = arith.constant 0 : i32
    %dma_wait3A_52 = tpu.memref_slice %arg4[%dma_wait3A_50, %dma_wait3A_51] : memref<100000x128xf32, #tpu.memory_space<hbm>> -> memref<100000x128xf32, #tpu.memory_space<hbm>>
    tpu.wait_indirect_dma semaphore(%arg21 : memref<!tpu.dma_semaphore, #tpu.memory_space<semaphore_mem>>) src(%dma_wait3A_52 : memref<100000x128xf32, #tpu.memory_space<hbm>>) dst(%arg11 : memref<40x128xf32, #tpu.memory_space<vmem>>)
    %dma_wait3A_53 = arith.constant 6160 : i32
    %dma_wait3A_54 = tpu.memref_slice %arg9[%dma_wait3A_53] : memref<6280xi32, #tpu.memory_space<vmem>> -> memref<40xi32, #tpu.memory_space<vmem>>
    %dma_wait3A_55 = arith.constant 0 : i32
    %dma_wait3A_56 = arith.constant 0 : i32
    %dma_wait3A_57 = tpu.memref_slice %arg4[%dma_wait3A_55, %dma_wait3A_56] : memref<100000x128xf32, #tpu.memory_space<hbm>> -> memref<100000x128xf32, #tpu.memory_space<hbm>>
    tpu.wait_indirect_dma semaphore(%arg22 : memref<!tpu.dma_semaphore, #tpu.memory_space<semaphore_mem>>) src(%dma_wait3A_57 : memref<100000x128xf32, #tpu.memory_space<hbm>>) dst(%arg12 : memref<40x128xf32, #tpu.memory_space<vmem>>)
    %dma_wait3A_58 = arith.constant 6200 : i32
    %dma_wait3A_59 = tpu.memref_slice %arg9[%dma_wait3A_58] : memref<6280xi32, #tpu.memory_space<vmem>> -> memref<40xi32, #tpu.memory_space<vmem>>
    %dma_wait3A_60 = arith.constant 0 : i32
    %dma_wait3A_61 = arith.constant 0 : i32
    %dma_wait3A_62 = tpu.memref_slice %arg4[%dma_wait3A_60, %dma_wait3A_61] : memref<100000x128xf32, #tpu.memory_space<hbm>> -> memref<100000x128xf32, #tpu.memory_space<hbm>>
    tpu.wait_indirect_dma semaphore(%arg23 : memref<!tpu.dma_semaphore, #tpu.memory_space<semaphore_mem>>) src(%dma_wait3A_62 : memref<100000x128xf32, #tpu.memory_space<hbm>>) dst(%arg13 : memref<40x128xf32, #tpu.memory_space<vmem>>)
    %dma_wait3A_63 = arith.constant 6240 : i32
    %dma_wait3A_64 = tpu.memref_slice %arg9[%dma_wait3A_63] : memref<6280xi32, #tpu.memory_space<vmem>> -> memref<40xi32, #tpu.memory_space<vmem>>
    %dma_wait3A_65 = arith.constant 0 : i32
    %dma_wait3A_66 = arith.constant 0 : i32
    %dma_wait3A_67 = tpu.memref_slice %arg4[%dma_wait3A_65, %dma_wait3A_66] : memref<100000x128xf32, #tpu.memory_space<hbm>> -> memref<100000x128xf32, #tpu.memory_space<hbm>>
    tpu.wait_indirect_dma semaphore(%arg24 : memref<!tpu.dma_semaphore, #tpu.memory_space<semaphore_mem>>) src(%dma_wait3A_67 : memref<100000x128xf32, #tpu.memory_space<hbm>>) dst(%arg14 : memref<40x128xf32, #tpu.memory_space<vmem>>)
    %scan3A_68 = arith.constant 0 : i32
    %scan3A_69 = arith.constant 40 : i32
    %scan3A_70 = arith.addi %scan3A_68, %scan3A_69 : i32
    %scan3A_71 = arith.constant 1 : i32
    %scan3A_72:8 = scf.for %scan3A_108 = %scan3A_68 to %scan3A_70 step %scan3A_71 iter_args(%scan3A_109 = %broadcast_in_dim3A_7, %scan3A_110 = %broadcast_in_dim3A_7, %scan3A_111 = %broadcast_in_dim3A_7, %scan3A_112 = %broadcast_in_dim3A_7, %scan3A_113 = %broadcast_in_dim3A_7, %scan3A_114 = %broadcast_in_dim3A_7, %scan3A_115 = %broadcast_in_dim3A_7, %scan3A_116 = %broadcast_in_dim3A_7) -> (vector<16xf32>, vector<16xf32>, vector<16xf32>, vector<16xf32>, vector<16xf32>, vector<16xf32>, vector<16xf32>, vector<16xf32>)  : i32 {
      %get3A = arith.index_cast %scan3A_108 : i32 to index
      %get3A_117 = arith.constant 0 : index
      %get3A_118 = tpu.vector_load %arg10[%get3A, %get3A_117] {strides = array<i32>} : memref<40x128xf32, #tpu.memory_space<vmem>>, vector<1x16xf32>,
      %get3A_119 = vector.shape_cast %get3A_118 : vector<1x16xf32> to vector<16xf32>
      %add3A_120 = arith.addf %scan3A_109, %get3A_119 : vector<16xf32>
      %get3A_121 = arith.index_cast %scan3A_108 : i32 to index
      %get3A_122 = arith.constant 16 : index
      %get3A_123 = tpu.vector_load %arg10[%get3A_121, %get3A_122] {strides = array<i32>} : memref<40x128xf32, #tpu.memory_space<vmem>>, vector<1x16xf32>,
      %get3A_124 = vector.shape_cast %get3A_123 : vector<1x16xf32> to vector<16xf32>
      %add3A_125 = arith.addf %scan3A_110, %get3A_124 : vector<16xf32>
      %get3A_126 = arith.index_cast %scan3A_108 : i32 to index
      %get3A_127 = arith.constant 32 : index
      %get3A_128 = tpu.vector_load %arg10[%get3A_126, %get3A_127] {strides = array<i32>} : memref<40x128xf32, #tpu.memory_space<vmem>>, vector<1x16xf32>,
      %get3A_129 = vector.shape_cast %get3A_128 : vector<1x16xf32> to vector<16xf32>
      %add3A_130 = arith.addf %scan3A_111, %get3A_129 : vector<16xf32>
      %get3A_131 = arith.index_cast %scan3A_108 : i32 to index
      %get3A_132 = arith.constant 48 : index
      %get3A_133 = tpu.vector_load %arg10[%get3A_131, %get3A_132] {strides = array<i32>} : memref<40x128xf32, #tpu.memory_space<vmem>>, vector<1x16xf32>,
      %get3A_134 = vector.shape_cast %get3A_133 : vector<1x16xf32> to vector<16xf32>
      %add3A_135 = arith.addf %scan3A_112, %get3A_134 : vector<16xf32>
      %get3A_136 = arith.index_cast %scan3A_108 : i32 to index
      %get3A_137 = arith.constant 64 : index
      %get3A_138 = tpu.vector_load %arg10[%get3A_136, %get3A_137] {strides = array<i32>} : memref<40x128xf32, #tpu.memory_space<vmem>>, vector<1x16xf32>,
      %get3A_139 = vector.shape_cast %get3A_138 : vector<1x16xf32> to vector<16xf32>
      %add3A_140 = arith.addf %scan3A_113, %get3A_139 : vector<16xf32>
      %get3A_141 = arith.index_cast %scan3A_108 : i32 to index
      %get3A_142 = arith.constant 80 : index
      %get3A_143 = tpu.vector_load %arg10[%get3A_141, %get3A_142] {strides = array<i32>} : memref<40x128xf32, #tpu.memory_space<vmem>>, vector<1x16xf32>,
      %get3A_144 = vector.shape_cast %get3A_143 : vector<1x16xf32> to vector<16xf32>
      %add3A_145 = arith.addf %scan3A_114, %get3A_144 : vector<16xf32>
      %get3A_146 = arith.index_cast %scan3A_108 : i32 to index
      %get3A_147 = arith.constant 96 : index
      %get3A_148 = tpu.vector_load %arg10[%get3A_146, %get3A_147] {strides = array<i32>} : memref<40x128xf32, #tpu.memory_space<vmem>>, vector<1x16xf32>,
      %get3A_149 = vector.shape_cast %get3A_148 : vector<1x16xf32> to vector<16xf32>
      %add3A_150 = arith.addf %scan3A_115, %get3A_149 : vector<16xf32>
      %get3A_151 = arith.index_cast %scan3A_108 : i32 to index
      %get3A_152 = arith.constant 112 : index
      %get3A_153 = tpu.vector_load %arg10[%get3A_151, %get3A_152] {strides = array<i32>} : memref<40x128xf32, #tpu.memory_space<vmem>>, vector<1x16xf32>,
      %get3A_154 = vector.shape_cast %get3A_153 : vector<1x16xf32> to vector<16xf32>
      %add3A_155 = arith.addf %scan3A_116, %get3A_154 : vector<16xf32>
      %get3A_156 = arith.index_cast %scan3A_108 : i32 to index
      %get3A_157 = arith.constant 0 : index
      %get3A_158 = tpu.vector_load %arg11[%get3A_156, %get3A_157] {strides = array<i32>} : memref<40x128xf32, #tpu.memory_space<vmem>>, vector<1x16xf32>,
      %get3A_159 = vector.shape_cast %get3A_158 : vector<1x16xf32> to vector<16xf32>
      %add3A_160 = arith.addf %add3A_120, %get3A_159 : vector<16xf32>
      %get3A_161 = arith.index_cast %scan3A_108 : i32 to index
      %get3A_162 = arith.constant 16 : index
      %get3A_163 = tpu.vector_load %arg11[%get3A_161, %get3A_162] {strides = array<i32>} : memref<40x128xf32, #tpu.memory_space<vmem>>, vector<1x16xf32>,
      %get3A_164 = vector.shape_cast %get3A_163 : vector<1x16xf32> to vector<16xf32>
      %add3A_165 = arith.addf %add3A_125, %get3A_164 : vector<16xf32>
      %get3A_166 = arith.index_cast %scan3A_108 : i32 to index
      %get3A_167 = arith.constant 32 : index
      %get3A_168 = tpu.vector_load %arg11[%get3A_166, %get3A_167] {strides = array<i32>} : memref<40x128xf32, #tpu.memory_space<vmem>>, vector<1x16xf32>,
      %get3A_169 = vector.shape_cast %get3A_168 : vector<1x16xf32> to vector<16xf32>
      %add3A_170 = arith.addf %add3A_130, %get3A_169 : vector<16xf32>
      %get3A_171 = arith.index_cast %scan3A_108 : i32 to index
      %get3A_172 = arith.constant 48 : index
      %get3A_173 = tpu.vector_load %arg11[%get3A_171, %get3A_172] {strides = array<i32>} : memref<40x128xf32, #tpu.memory_space<vmem>>, vector<1x16xf32>,
      %get3A_174 = vector.shape_cast %get3A_173 : vector<1x16xf32> to vector<16xf32>
      %add3A_175 = arith.addf %add3A_135, %get3A_174 : vector<16xf32>
      %get3A_176 = arith.index_cast %scan3A_108 : i32 to index
      %get3A_177 = arith.constant 64 : index
      %get3A_178 = tpu.vector_load %arg11[%get3A_176, %get3A_177] {strides = array<i32>} : memref<40x128xf32, #tpu.memory_space<vmem>>, vector<1x16xf32>,
      %get3A_179 = vector.shape_cast %get3A_178 : vector<1x16xf32> to vector<16xf32>
      %add3A_180 = arith.addf %add3A_140, %get3A_179 : vector<16xf32>
      %get3A_181 = arith.index_cast %scan3A_108 : i32 to index
      %get3A_182 = arith.constant 80 : index
      %get3A_183 = tpu.vector_load %arg11[%get3A_181, %get3A_182] {strides = array<i32>} : memref<40x128xf32, #tpu.memory_space<vmem>>, vector<1x16xf32>,
      %get3A_184 = vector.shape_cast %get3A_183 : vector<1x16xf32> to vector<16xf32>
      %add3A_185 = arith.addf %add3A_145, %get3A_184 : vector<16xf32>
      %get3A_186 = arith.index_cast %scan3A_108 : i32 to index
      %get3A_187 = arith.constant 96 : index
      %get3A_188 = tpu.vector_load %arg11[%get3A_186, %get3A_187] {strides = array<i32>} : memref<40x128xf32, #tpu.memory_space<vmem>>, vector<1x16xf32>,
      %get3A_189 = vector.shape_cast %get3A_188 : vector<1x16xf32> to vector<16xf32>
      %add3A_190 = arith.addf %add3A_150, %get3A_189 : vector<16xf32>
      %get3A_191 = arith.index_cast %scan3A_108 : i32 to index
      %get3A_192 = arith.constant 112 : index
      %get3A_193 = tpu.vector_load %arg11[%get3A_191, %get3A_192] {strides = array<i32>} : memref<40x128xf32, #tpu.memory_space<vmem>>, vector<1x16xf32>,
      %get3A_194 = vector.shape_cast %get3A_193 : vector<1x16xf32> to vector<16xf32>
      %add3A_195 = arith.addf %add3A_155, %get3A_194 : vector<16xf32>
      %get3A_196 = arith.index_cast %scan3A_108 : i32 to index
      %get3A_197 = arith.constant 0 : index
      %get3A_198 = tpu.vector_load %arg12[%get3A_196, %get3A_197] {strides = array<i32>} : memref<40x128xf32, #tpu.memory_space<vmem>>, vector<1x16xf32>,
      %get3A_199 = vector.shape_cast %get3A_198 : vector<1x16xf32> to vector<16xf32>
      %add3A_200 = arith.addf %add3A_160, %get3A_199 : vector<16xf32>
      %get3A_201 = arith.index_cast %scan3A_108 : i32 to index
      %get3A_202 = arith.constant 16 : index
      %get3A_203 = tpu.vector_load %arg12[%get3A_201, %get3A_202] {strides = array<i32>} : memref<40x128xf32, #tpu.memory_space<vmem>>, vector<1x16xf32>,
      %get3A_204 = vector.shape_cast %get3A_203 : vector<1x16xf32> to vector<16xf32>
      %add3A_205 = arith.addf %add3A_165, %get3A_204 : vector<16xf32>
      %get3A_206 = arith.index_cast %scan3A_108 : i32 to index
      %get3A_207 = arith.constant 32 : index
      %get3A_208 = tpu.vector_load %arg12[%get3A_206, %get3A_207] {strides = array<i32>} : memref<40x128xf32, #tpu.memory_space<vmem>>, vector<1x16xf32>,
      %get3A_209 = vector.shape_cast %get3A_208 : vector<1x16xf32> to vector<16xf32>
      %add3A_210 = arith.addf %add3A_170, %get3A_209 : vector<16xf32>
      %get3A_211 = arith.index_cast %scan3A_108 : i32 to index
      %get3A_212 = arith.constant 48 : index
      %get3A_213 = tpu.vector_load %arg12[%get3A_211, %get3A_212] {strides = array<i32>} : memref<40x128xf32, #tpu.memory_space<vmem>>, vector<1x16xf32>,
      %get3A_214 = vector.shape_cast %get3A_213 : vector<1x16xf32> to vector<16xf32>
      %add3A_215 = arith.addf %add3A_175, %get3A_214 : vector<16xf32>
      %get3A_216 = arith.index_cast %scan3A_108 : i32 to index
      %get3A_217 = arith.constant 64 : index
      %get3A_218 = tpu.vector_load %arg12[%get3A_216, %get3A_217] {strides = array<i32>} : memref<40x128xf32, #tpu.memory_space<vmem>>, vector<1x16xf32>,
      %get3A_219 = vector.shape_cast %get3A_218 : vector<1x16xf32> to vector<16xf32>
      %add3A_220 = arith.addf %add3A_180, %get3A_219 : vector<16xf32>
      %get3A_221 = arith.index_cast %scan3A_108 : i32 to index
      %get3A_222 = arith.constant 80 : index
      %get3A_223 = tpu.vector_load %arg12[%get3A_221, %get3A_222] {strides = array<i32>} : memref<40x128xf32, #tpu.memory_space<vmem>>, vector<1x16xf32>,
      %get3A_224 = vector.shape_cast %get3A_223 : vector<1x16xf32> to vector<16xf32>
      %add3A_225 = arith.addf %add3A_185, %get3A_224 : vector<16xf32>
      %get3A_226 = arith.index_cast %scan3A_108 : i32 to index
      %get3A_227 = arith.constant 96 : index
      %get3A_228 = tpu.vector_load %arg12[%get3A_226, %get3A_227] {strides = array<i32>} : memref<40x128xf32, #tpu.memory_space<vmem>>, vector<1x16xf32>,
      %get3A_229 = vector.shape_cast %get3A_228 : vector<1x16xf32> to vector<16xf32>
      %add3A_230 = arith.addf %add3A_190, %get3A_229 : vector<16xf32>
      %get3A_231 = arith.index_cast %scan3A_108 : i32 to index
      %get3A_232 = arith.constant 112 : index
      %get3A_233 = tpu.vector_load %arg12[%get3A_231, %get3A_232] {strides = array<i32>} : memref<40x128xf32, #tpu.memory_space<vmem>>, vector<1x16xf32>,
      %get3A_234 = vector.shape_cast %get3A_233 : vector<1x16xf32> to vector<16xf32>
      %add3A_235 = arith.addf %add3A_195, %get3A_234 : vector<16xf32>
      %get3A_236 = arith.index_cast %scan3A_108 : i32 to index
      %get3A_237 = arith.constant 0 : index
      %get3A_238 = tpu.vector_load %arg13[%get3A_236, %get3A_237] {strides = array<i32>} : memref<40x128xf32, #tpu.memory_space<vmem>>, vector<1x16xf32>,
      %get3A_239 = vector.shape_cast %get3A_238 : vector<1x16xf32> to vector<16xf32>
      %add3A_240 = arith.addf %add3A_200, %get3A_239 : vector<16xf32>
      %get3A_241 = arith.index_cast %scan3A_108 : i32 to index
      %get3A_242 = arith.constant 16 : index
      %get3A_243 = tpu.vector_load %arg13[%get3A_241, %get3A_242] {strides = array<i32>} : memref<40x128xf32, #tpu.memory_space<vmem>>, vector<1x16xf32>,
      %get3A_244 = vector.shape_cast %get3A_243 : vector<1x16xf32> to vector<16xf32>
      %add3A_245 = arith.addf %add3A_205, %get3A_244 : vector<16xf32>
      %get3A_246 = arith.index_cast %scan3A_108 : i32 to index
      %get3A_247 = arith.constant 32 : index
      %get3A_248 = tpu.vector_load %arg13[%get3A_246, %get3A_247] {strides = array<i32>} : memref<40x128xf32, #tpu.memory_space<vmem>>, vector<1x16xf32>,
      %get3A_249 = vector.shape_cast %get3A_248 : vector<1x16xf32> to vector<16xf32>
      %add3A_250 = arith.addf %add3A_210, %get3A_249 : vector<16xf32>
      %get3A_251 = arith.index_cast %scan3A_108 : i32 to index
      %get3A_252 = arith.constant 48 : index
      %get3A_253 = tpu.vector_load %arg13[%get3A_251, %get3A_252] {strides = array<i32>} : memref<40x128xf32, #tpu.memory_space<vmem>>, vector<1x16xf32>,
      %get3A_254 = vector.shape_cast %get3A_253 : vector<1x16xf32> to vector<16xf32>
      %add3A_255 = arith.addf %add3A_215, %get3A_254 : vector<16xf32>
      %get3A_256 = arith.index_cast %scan3A_108 : i32 to index
      %get3A_257 = arith.constant 64 : index
      %get3A_258 = tpu.vector_load %arg13[%get3A_256, %get3A_257] {strides = array<i32>} : memref<40x128xf32, #tpu.memory_space<vmem>>, vector<1x16xf32>,
      %get3A_259 = vector.shape_cast %get3A_258 : vector<1x16xf32> to vector<16xf32>
      %add3A_260 = arith.addf %add3A_220, %get3A_259 : vector<16xf32>
      %get3A_261 = arith.index_cast %scan3A_108 : i32 to index
      %get3A_262 = arith.constant 80 : index
      %get3A_263 = tpu.vector_load %arg13[%get3A_261, %get3A_262] {strides = array<i32>} : memref<40x128xf32, #tpu.memory_space<vmem>>, vector<1x16xf32>,
      %get3A_264 = vector.shape_cast %get3A_263 : vector<1x16xf32> to vector<16xf32>
      %add3A_265 = arith.addf %add3A_225, %get3A_264 : vector<16xf32>
      %get3A_266 = arith.index_cast %scan3A_108 : i32 to index
      %get3A_267 = arith.constant 96 : index
      %get3A_268 = tpu.vector_load %arg13[%get3A_266, %get3A_267] {strides = array<i32>} : memref<40x128xf32, #tpu.memory_space<vmem>>, vector<1x16xf32>,
      %get3A_269 = vector.shape_cast %get3A_268 : vector<1x16xf32> to vector<16xf32>
      %add3A_270 = arith.addf %add3A_230, %get3A_269 : vector<16xf32>
      %get3A_271 = arith.index_cast %scan3A_108 : i32 to index
      %get3A_272 = arith.constant 112 : index
      %get3A_273 = tpu.vector_load %arg13[%get3A_271, %get3A_272] {strides = array<i32>} : memref<40x128xf32, #tpu.memory_space<vmem>>, vector<1x16xf32>,
      %get3A_274 = vector.shape_cast %get3A_273 : vector<1x16xf32> to vector<16xf32>
      %add3A_275 = arith.addf %add3A_235, %get3A_274 : vector<16xf32>
      %get3A_276 = arith.index_cast %scan3A_108 : i32 to index
      %get3A_277 = arith.constant 0 : index
      %get3A_278 = tpu.vector_load %arg14[%get3A_276, %get3A_277] {strides = array<i32>} : memref<40x128xf32, #tpu.memory_space<vmem>>, vector<1x16xf32>,
      %get3A_279 = vector.shape_cast %get3A_278 : vector<1x16xf32> to vector<16xf32>
      %add3A_280 = arith.addf %add3A_240, %get3A_279 : vector<16xf32>
      %get3A_281 = arith.index_cast %scan3A_108 : i32 to index
      %get3A_282 = arith.constant 16 : index
      %get3A_283 = tpu.vector_load %arg14[%get3A_281, %get3A_282] {strides = array<i32>} : memref<40x128xf32, #tpu.memory_space<vmem>>, vector<1x16xf32>,
      %get3A_284 = vector.shape_cast %get3A_283 : vector<1x16xf32> to vector<16xf32>
      %add3A_285 = arith.addf %add3A_245, %get3A_284 : vector<16xf32>
      %get3A_286 = arith.index_cast %scan3A_108 : i32 to index
      %get3A_287 = arith.constant 32 : index
      %get3A_288 = tpu.vector_load %arg14[%get3A_286, %get3A_287] {strides = array<i32>} : memref<40x128xf32, #tpu.memory_space<vmem>>, vector<1x16xf32>,
      %get3A_289 = vector.shape_cast %get3A_288 : vector<1x16xf32> to vector<16xf32>
      %add3A_290 = arith.addf %add3A_250, %get3A_289 : vector<16xf32>
      %get3A_291 = arith.index_cast %scan3A_108 : i32 to index
      %get3A_292 = arith.constant 48 : index
      %get3A_293 = tpu.vector_load %arg14[%get3A_291, %get3A_292] {strides = array<i32>} : memref<40x128xf32, #tpu.memory_space<vmem>>, vector<1x16xf32>,
      %get3A_294 = vector.shape_cast %get3A_293 : vector<1x16xf32> to vector<16xf32>
      %add3A_295 = arith.addf %add3A_255, %get3A_294 : vector<16xf32>
      %get3A_296 = arith.index_cast %scan3A_108 : i32 to index
      %get3A_297 = arith.constant 64 : index
      %get3A_298 = tpu.vector_load %arg14[%get3A_296, %get3A_297] {strides = array<i32>} : memref<40x128xf32, #tpu.memory_space<vmem>>, vector<1x16xf32>,
      %get3A_299 = vector.shape_cast %get3A_298 : vector<1x16xf32> to vector<16xf32>
      %add3A_300 = arith.addf %add3A_260, %get3A_299 : vector<16xf32>
      %get3A_301 = arith.index_cast %scan3A_108 : i32 to index
      %get3A_302 = arith.constant 80 : index
      %get3A_303 = tpu.vector_load %arg14[%get3A_301, %get3A_302] {strides = array<i32>} : memref<40x128xf32, #tpu.memory_space<vmem>>, vector<1x16xf32>,
      %get3A_304 = vector.shape_cast %get3A_303 : vector<1x16xf32> to vector<16xf32>
      %add3A_305 = arith.addf %add3A_265, %get3A_304 : vector<16xf32>
      %get3A_306 = arith.index_cast %scan3A_108 : i32 to index
      %get3A_307 = arith.constant 96 : index
      %get3A_308 = tpu.vector_load %arg14[%get3A_306, %get3A_307] {strides = array<i32>} : memref<40x128xf32, #tpu.memory_space<vmem>>, vector<1x16xf32>,
      %get3A_309 = vector.shape_cast %get3A_308 : vector<1x16xf32> to vector<16xf32>
      %add3A_310 = arith.addf %add3A_270, %get3A_309 : vector<16xf32>
      %get3A_311 = arith.index_cast %scan3A_108 : i32 to index
      %get3A_312 = arith.constant 112 : index
      %get3A_313 = tpu.vector_load %arg14[%get3A_311, %get3A_312] {strides = array<i32>} : memref<40x128xf32, #tpu.memory_space<vmem>>, vector<1x16xf32>,
      %get3A_314 = vector.shape_cast %get3A_313 : vector<1x16xf32> to vector<16xf32>
      %add3A_315 = arith.addf %add3A_275, %get3A_314 : vector<16xf32>
      %get3A_316 = arith.index_cast %scan3A_108 : i32 to index
      %get3A_317 = arith.constant 0 : index
      %get3A_318 = tpu.vector_load %arg15[%get3A_316, %get3A_317] {strides = array<i32>} : memref<40x128xf32, #tpu.memory_space<vmem>>, vector<1x16xf32>,
      %get3A_319 = vector.shape_cast %get3A_318 : vector<1x16xf32> to vector<16xf32>
      %add3A_320 = arith.addf %add3A_280, %get3A_319 : vector<16xf32>
      %get3A_321 = arith.index_cast %scan3A_108 : i32 to index
      %get3A_322 = arith.constant 16 : index
      %get3A_323 = tpu.vector_load %arg15[%get3A_321, %get3A_322] {strides = array<i32>} : memref<40x128xf32, #tpu.memory_space<vmem>>, vector<1x16xf32>,
      %get3A_324 = vector.shape_cast %get3A_323 : vector<1x16xf32> to vector<16xf32>
      %add3A_325 = arith.addf %add3A_285, %get3A_324 : vector<16xf32>
      %get3A_326 = arith.index_cast %scan3A_108 : i32 to index
      %get3A_327 = arith.constant 32 : index
      %get3A_328 = tpu.vector_load %arg15[%get3A_326, %get3A_327] {strides = array<i32>} : memref<40x128xf32, #tpu.memory_space<vmem>>, vector<1x16xf32>,
      %get3A_329 = vector.shape_cast %get3A_328 : vector<1x16xf32> to vector<16xf32>
      %add3A_330 = arith.addf %add3A_290, %get3A_329 : vector<16xf32>
      %get3A_331 = arith.index_cast %scan3A_108 : i32 to index
      %get3A_332 = arith.constant 48 : index
      %get3A_333 = tpu.vector_load %arg15[%get3A_331, %get3A_332] {strides = array<i32>} : memref<40x128xf32, #tpu.memory_space<vmem>>, vector<1x16xf32>,
      %get3A_334 = vector.shape_cast %get3A_333 : vector<1x16xf32> to vector<16xf32>
      %add3A_335 = arith.addf %add3A_295, %get3A_334 : vector<16xf32>
      %get3A_336 = arith.index_cast %scan3A_108 : i32 to index
      %get3A_337 = arith.constant 64 : index
      %get3A_338 = tpu.vector_load %arg15[%get3A_336, %get3A_337] {strides = array<i32>} : memref<40x128xf32, #tpu.memory_space<vmem>>, vector<1x16xf32>,
      %get3A_339 = vector.shape_cast %get3A_338 : vector<1x16xf32> to vector<16xf32>
      %add3A_340 = arith.addf %add3A_300, %get3A_339 : vector<16xf32>
      %get3A_341 = arith.index_cast %scan3A_108 : i32 to index
      %get3A_342 = arith.constant 80 : index
      %get3A_343 = tpu.vector_load %arg15[%get3A_341, %get3A_342] {strides = array<i32>} : memref<40x128xf32, #tpu.memory_space<vmem>>, vector<1x16xf32>,
      %get3A_344 = vector.shape_cast %get3A_343 : vector<1x16xf32> to vector<16xf32>
      %add3A_345 = arith.addf %add3A_305, %get3A_344 : vector<16xf32>
      %get3A_346 = arith.index_cast %scan3A_108 : i32 to index
      %get3A_347 = arith.constant 96 : index
      %get3A_348 = tpu.vector_load %arg15[%get3A_346, %get3A_347] {strides = array<i32>} : memref<40x128xf32, #tpu.memory_space<vmem>>, vector<1x16xf32>,
      %get3A_349 = vector.shape_cast %get3A_348 : vector<1x16xf32> to vector<16xf32>
      %add3A_350 = arith.addf %add3A_310, %get3A_349 : vector<16xf32>
      %get3A_351 = arith.index_cast %scan3A_108 : i32 to index
      %get3A_352 = arith.constant 112 : index
      %get3A_353 = tpu.vector_load %arg15[%get3A_351, %get3A_352] {strides = array<i32>} : memref<40x128xf32, #tpu.memory_space<vmem>>, vector<1x16xf32>,
      %get3A_354 = vector.shape_cast %get3A_353 : vector<1x16xf32> to vector<16xf32>
      %add3A_355 = arith.addf %add3A_315, %get3A_354 : vector<16xf32>
      %get3A_356 = arith.index_cast %scan3A_108 : i32 to index
      %get3A_357 = arith.constant 0 : index
      %get3A_358 = tpu.vector_load %arg16[%get3A_356, %get3A_357] {strides = array<i32>} : memref<40x128xf32, #tpu.memory_space<vmem>>, vector<1x16xf32>,
      %get3A_359 = vector.shape_cast %get3A_358 : vector<1x16xf32> to vector<16xf32>
      %add3A_360 = arith.addf %add3A_320, %get3A_359 : vector<16xf32>
      %get3A_361 = arith.index_cast %scan3A_108 : i32 to index
      %get3A_362 = arith.constant 16 : index
      %get3A_363 = tpu.vector_load %arg16[%get3A_361, %get3A_362] {strides = array<i32>} : memref<40x128xf32, #tpu.memory_space<vmem>>, vector<1x16xf32>,
      %get3A_364 = vector.shape_cast %get3A_363 : vector<1x16xf32> to vector<16xf32>
      %add3A_365 = arith.addf %add3A_325, %get3A_364 : vector<16xf32>
      %get3A_366 = arith.index_cast %scan3A_108 : i32 to index
      %get3A_367 = arith.constant 32 : index
      %get3A_368 = tpu.vector_load %arg16[%get3A_366, %get3A_367] {strides = array<i32>} : memref<40x128xf32, #tpu.memory_space<vmem>>, vector<1x16xf32>,
      %get3A_369 = vector.shape_cast %get3A_368 : vector<1x16xf32> to vector<16xf32>
      %add3A_370 = arith.addf %add3A_330, %get3A_369 : vector<16xf32>
      %get3A_371 = arith.index_cast %scan3A_108 : i32 to index
      %get3A_372 = arith.constant 48 : index
      %get3A_373 = tpu.vector_load %arg16[%get3A_371, %get3A_372] {strides = array<i32>} : memref<40x128xf32, #tpu.memory_space<vmem>>, vector<1x16xf32>,
      %get3A_374 = vector.shape_cast %get3A_373 : vector<1x16xf32> to vector<16xf32>
      %add3A_375 = arith.addf %add3A_335, %get3A_374 : vector<16xf32>
      %get3A_376 = arith.index_cast %scan3A_108 : i32 to index
      %get3A_377 = arith.constant 64 : index
      %get3A_378 = tpu.vector_load %arg16[%get3A_376, %get3A_377] {strides = array<i32>} : memref<40x128xf32, #tpu.memory_space<vmem>>, vector<1x16xf32>,
      %get3A_379 = vector.shape_cast %get3A_378 : vector<1x16xf32> to vector<16xf32>
      %add3A_380 = arith.addf %add3A_340, %get3A_379 : vector<16xf32>
      %get3A_381 = arith.index_cast %scan3A_108 : i32 to index
      %get3A_382 = arith.constant 80 : index
      %get3A_383 = tpu.vector_load %arg16[%get3A_381, %get3A_382] {strides = array<i32>} : memref<40x128xf32, #tpu.memory_space<vmem>>, vector<1x16xf32>,
      %get3A_384 = vector.shape_cast %get3A_383 : vector<1x16xf32> to vector<16xf32>
      %add3A_385 = arith.addf %add3A_345, %get3A_384 : vector<16xf32>
      %get3A_386 = arith.index_cast %scan3A_108 : i32 to index
      %get3A_387 = arith.constant 96 : index
      %get3A_388 = tpu.vector_load %arg16[%get3A_386, %get3A_387] {strides = array<i32>} : memref<40x128xf32, #tpu.memory_space<vmem>>, vector<1x16xf32>,
      %get3A_389 = vector.shape_cast %get3A_388 : vector<1x16xf32> to vector<16xf32>
      %add3A_390 = arith.addf %add3A_350, %get3A_389 : vector<16xf32>
      %get3A_391 = arith.index_cast %scan3A_108 : i32 to index
      %get3A_392 = arith.constant 112 : index
      %get3A_393 = tpu.vector_load %arg16[%get3A_391, %get3A_392] {strides = array<i32>} : memref<40x128xf32, #tpu.memory_space<vmem>>, vector<1x16xf32>,
      %get3A_394 = vector.shape_cast %get3A_393 : vector<1x16xf32> to vector<16xf32>
      %add3A_395 = arith.addf %add3A_355, %get3A_394 : vector<16xf32>
      %get3A_396 = arith.index_cast %scan3A_108 : i32 to index
      %get3A_397 = arith.constant 0 : index
      %get3A_398 = tpu.vector_load %arg17[%get3A_396, %get3A_397] {strides = array<i32>} : memref<40x128xf32, #tpu.memory_space<vmem>>, vector<1x16xf32>,
      %get3A_399 = vector.shape_cast %get3A_398 : vector<1x16xf32> to vector<16xf32>
      %add3A_400 = arith.addf %add3A_360, %get3A_399 : vector<16xf32>
      %get3A_401 = arith.index_cast %scan3A_108 : i32 to index
      %get3A_402 = arith.constant 16 : index
      %get3A_403 = tpu.vector_load %arg17[%get3A_401, %get3A_402] {strides = array<i32>} : memref<40x128xf32, #tpu.memory_space<vmem>>, vector<1x16xf32>,
      %get3A_404 = vector.shape_cast %get3A_403 : vector<1x16xf32> to vector<16xf32>
      %add3A_405 = arith.addf %add3A_365, %get3A_404 : vector<16xf32>
      %get3A_406 = arith.index_cast %scan3A_108 : i32 to index
      %get3A_407 = arith.constant 32 : index
      %get3A_408 = tpu.vector_load %arg17[%get3A_406, %get3A_407] {strides = array<i32>} : memref<40x128xf32, #tpu.memory_space<vmem>>, vector<1x16xf32>,
      %get3A_409 = vector.shape_cast %get3A_408 : vector<1x16xf32> to vector<16xf32>
      %add3A_410 = arith.addf %add3A_370, %get3A_409 : vector<16xf32>
      %get3A_411 = arith.index_cast %scan3A_108 : i32 to index
      %get3A_412 = arith.constant 48 : index
      %get3A_413 = tpu.vector_load %arg17[%get3A_411, %get3A_412] {strides = array<i32>} : memref<40x128xf32, #tpu.memory_space<vmem>>, vector<1x16xf32>,
      %get3A_414 = vector.shape_cast %get3A_413 : vector<1x16xf32> to vector<16xf32>
      %add3A_415 = arith.addf %add3A_375, %get3A_414 : vector<16xf32>
      %get3A_416 = arith.index_cast %scan3A_108 : i32 to index
      %get3A_417 = arith.constant 64 : index
      %get3A_418 = tpu.vector_load %arg17[%get3A_416, %get3A_417] {strides = array<i32>} : memref<40x128xf32, #tpu.memory_space<vmem>>, vector<1x16xf32>,
      %get3A_419 = vector.shape_cast %get3A_418 : vector<1x16xf32> to vector<16xf32>
      %add3A_420 = arith.addf %add3A_380, %get3A_419 : vector<16xf32>
      %get3A_421 = arith.index_cast %scan3A_108 : i32 to index
      %get3A_422 = arith.constant 80 : index
      %get3A_423 = tpu.vector_load %arg17[%get3A_421, %get3A_422] {strides = array<i32>} : memref<40x128xf32, #tpu.memory_space<vmem>>, vector<1x16xf32>,
      %get3A_424 = vector.shape_cast %get3A_423 : vector<1x16xf32> to vector<16xf32>
      %add3A_425 = arith.addf %add3A_385, %get3A_424 : vector<16xf32>
      %get3A_426 = arith.index_cast %scan3A_108 : i32 to index
      %get3A_427 = arith.constant 96 : index
      %get3A_428 = tpu.vector_load %arg17[%get3A_426, %get3A_427] {strides = array<i32>} : memref<40x128xf32, #tpu.memory_space<vmem>>, vector<1x16xf32>,
      %get3A_429 = vector.shape_cast %get3A_428 : vector<1x16xf32> to vector<16xf32>
      %add3A_430 = arith.addf %add3A_390, %get3A_429 : vector<16xf32>
      %get3A_431 = arith.index_cast %scan3A_108 : i32 to index
      %get3A_432 = arith.constant 112 : index
      %get3A_433 = tpu.vector_load %arg17[%get3A_431, %get3A_432] {strides = array<i32>} : memref<40x128xf32, #tpu.memory_space<vmem>>, vector<1x16xf32>,
      %get3A_434 = vector.shape_cast %get3A_433 : vector<1x16xf32> to vector<16xf32>
      %add3A_435 = arith.addf %add3A_395, %get3A_434 : vector<16xf32>
      scf.yield %add3A_400, %add3A_405, %add3A_410, %add3A_415, %add3A_420, %add3A_425, %add3A_430, %add3A_435 : vector<16xf32>, vector<16xf32>, vector<16xf32>, vector<16xf32>, vector<16xf32>, vector<16xf32>, vector<16xf32>, vector<16xf32>
    }
    %scan3A_73 = arith.constant 40 : i32
    %swap3A = arith.constant 0 : index
    %swap3A_74 = tpu.vector_load %arg18[%swap3A] {strides = array<i32>} : memref<128xf32, #tpu.memory_space<vmem>>, vector<16xf32>,
    %swap3A_75 = vector.shape_cast %swap3A_74 : vector<16xf32> to vector<16xf32>
    %swap3A_76 = vector.shape_cast %scan3A_72#0 : vector<16xf32> to vector<16xf32>
    tpu.vector_store %arg18[%swap3A], %swap3A_76 {strides = array<i32>} : memref<128xf32, #tpu.memory_space<vmem>>, vector<16xf32>,
    %swap3A_77 = arith.constant 16 : index
    %swap3A_78 = tpu.vector_load %arg18[%swap3A_77] {strides = array<i32>} : memref<128xf32, #tpu.memory_space<vmem>>, vector<16xf32>,
    %swap3A_79 = vector.shape_cast %swap3A_78 : vector<16xf32> to vector<16xf32>
    %swap3A_80 = vector.shape_cast %scan3A_72#1 : vector<16xf32> to vector<16xf32>
    tpu.vector_store %arg18[%swap3A_77], %swap3A_80 {strides = array<i32>} : memref<128xf32, #tpu.memory_space<vmem>>, vector<16xf32>,
    %swap3A_81 = arith.constant 32 : index
    %swap3A_82 = tpu.vector_load %arg18[%swap3A_81] {strides = array<i32>} : memref<128xf32, #tpu.memory_space<vmem>>, vector<16xf32>,
    %swap3A_83 = vector.shape_cast %swap3A_82 : vector<16xf32> to vector<16xf32>
    %swap3A_84 = vector.shape_cast %scan3A_72#2 : vector<16xf32> to vector<16xf32>
    tpu.vector_store %arg18[%swap3A_81], %swap3A_84 {strides = array<i32>} : memref<128xf32, #tpu.memory_space<vmem>>, vector<16xf32>,
    %swap3A_85 = arith.constant 48 : index
    %swap3A_86 = tpu.vector_load %arg18[%swap3A_85] {strides = array<i32>} : memref<128xf32, #tpu.memory_space<vmem>>, vector<16xf32>,
    %swap3A_87 = vector.shape_cast %swap3A_86 : vector<16xf32> to vector<16xf32>
    %swap3A_88 = vector.shape_cast %scan3A_72#3 : vector<16xf32> to vector<16xf32>
    tpu.vector_store %arg18[%swap3A_85], %swap3A_88 {strides = array<i32>} : memref<128xf32, #tpu.memory_space<vmem>>, vector<16xf32>,
    %swap3A_89 = arith.constant 64 : index
    %swap3A_90 = tpu.vector_load %arg18[%swap3A_89] {strides = array<i32>} : memref<128xf32, #tpu.memory_space<vmem>>, vector<16xf32>,
    %swap3A_91 = vector.shape_cast %swap3A_90 : vector<16xf32> to vector<16xf32>
    %swap3A_92 = vector.shape_cast %scan3A_72#4 : vector<16xf32> to vector<16xf32>
    tpu.vector_store %arg18[%swap3A_89], %swap3A_92 {strides = array<i32>} : memref<128xf32, #tpu.memory_space<vmem>>, vector<16xf32>,
    %swap3A_93 = arith.constant 80 : index
    %swap3A_94 = tpu.vector_load %arg18[%swap3A_93] {strides = array<i32>} : memref<128xf32, #tpu.memory_space<vmem>>, vector<16xf32>,
    %swap3A_95 = vector.shape_cast %swap3A_94 : vector<16xf32> to vector<16xf32>
    %swap3A_96 = vector.shape_cast %scan3A_72#5 : vector<16xf32> to vector<16xf32>
    tpu.vector_store %arg18[%swap3A_93], %swap3A_96 {strides = array<i32>} : memref<128xf32, #tpu.memory_space<vmem>>, vector<16xf32>,
    %swap3A_97 = arith.constant 96 : index
    %swap3A_98 = tpu.vector_load %arg18[%swap3A_97] {strides = array<i32>} : memref<128xf32, #tpu.memory_space<vmem>>, vector<16xf32>,
    %swap3A_99 = vector.shape_cast %swap3A_98 : vector<16xf32> to vector<16xf32>
    %swap3A_100 = vector.shape_cast %scan3A_72#6 : vector<16xf32> to vector<16xf32>
    tpu.vector_store %arg18[%swap3A_97], %swap3A_100 {strides = array<i32>} : memref<128xf32, #tpu.memory_space<vmem>>, vector<16xf32>,
    %swap3A_101 = arith.constant 112 : index
    %swap3A_102 = tpu.vector_load %arg18[%swap3A_101] {strides = array<i32>} : memref<128xf32, #tpu.memory_space<vmem>>, vector<16xf32>,
    %swap3A_103 = vector.shape_cast %swap3A_102 : vector<16xf32> to vector<16xf32>
    %swap3A_104 = vector.shape_cast %scan3A_72#7 : vector<16xf32> to vector<16xf32>
    tpu.vector_store %arg18[%swap3A_101], %swap3A_104 {strides = array<i32>} : memref<128xf32, #tpu.memory_space<vmem>>, vector<16xf32>,
    "tpu.region"() ({
      %run_scoped3A = tpu.sem_alloc : memref<!tpu.dma_semaphore, #tpu.memory_space<semaphore_mem>>
      %dma_start3A_108 = arith.constant 0 : i32
      %dma_start3A_109 = tpu.memref_slice %arg6[%add3A, %dma_start3A_108] : memref<32x128xf32, #tpu.memory_space<hbm>> -> memref<1x128xf32, #tpu.memory_space<hbm>>
      %dma_start3A_110 = tpu.memref_squeeze %dma_start3A_109 : memref<1x128xf32, #tpu.memory_space<hbm>> -> memref<128xf32, #tpu.memory_space<hbm>>
      %dma_start3A_111 = arith.constant 0 : i32
      %dma_start3A_112 = tpu.memref_slice %arg6[%add3A, %dma_start3A_111] : memref<32x128xf32, #tpu.memory_space<hbm>> -> memref<1x128xf32, #tpu.memory_space<hbm>>
      %dma_start3A_113 = tpu.memref_squeeze %dma_start3A_112 : memref<1x128xf32, #tpu.memory_space<hbm>> -> memref<128xf32, #tpu.memory_space<hbm>>
      tpu.enqueue_dma source(%arg18 : memref<128xf32, #tpu.memory_space<vmem>>) target(%dma_start3A_113 : memref<128xf32, #tpu.memory_space<hbm>>) target_semaphore(%run_scoped3A : memref<!tpu.dma_semaphore, #tpu.memory_space<semaphore_mem>>)
      %dma_wait3A_114 = arith.constant 0 : i32
      %dma_wait3A_115 = tpu.memref_slice %arg6[%add3A, %dma_wait3A_114] : memref<32x128xf32, #tpu.memory_space<hbm>> -> memref<1x128xf32, #tpu.memory_space<hbm>>
      %dma_wait3A_116 = tpu.memref_squeeze %dma_wait3A_115 : memref<1x128xf32, #tpu.memory_space<hbm>> -> memref<128xf32, #tpu.memory_space<hbm>>
      %dma_wait3A_117 = arith.constant 0 : i32
      %dma_wait3A_118 = tpu.memref_slice %arg6[%add3A, %dma_wait3A_117] : memref<32x128xf32, #tpu.memory_space<hbm>> -> memref<1x128xf32, #tpu.memory_space<hbm>>
      %dma_wait3A_119 = tpu.memref_squeeze %dma_wait3A_118 : memref<1x128xf32, #tpu.memory_space<hbm>> -> memref<128xf32, #tpu.memory_space<hbm>>
      tpu.wait_dma2 semaphore(%run_scoped3A : memref<!tpu.dma_semaphore, #tpu.memory_space<semaphore_mem>>) src(%arg18 : memref<128xf32, #tpu.memory_space<vmem>>) dst(%dma_wait3A_119 : memref<128xf32, #tpu.memory_space<hbm>>)
      tpu.yield
    }) : () -> ()
    %dma_wait3A_105 = arith.constant 0 : i32
    %dma_wait3A_106 = arith.constant 0 : i32
    %dma_wait3A_107 = tpu.memref_slice %arg4[%dma_wait3A_105, %dma_wait3A_106] : memref<100000x128xf32, #tpu.memory_space<hbm>> -> memref<100000x128xf32, #tpu.memory_space<hbm>>
    tpu.wait_indirect_dma semaphore(%arg19 : memref<!tpu.dma_semaphore, #tpu.memory_space<semaphore_mem>>) src(%dma_wait3A_107 : memref<100000x128xf32, #tpu.memory_space<hbm>>) dst(%arg8 : memref<128x128xf32, #tpu.memory_space<vmem>>)
    "tpu.region"() ({
      %run_scoped3A = tpu.sem_alloc : memref<!tpu.dma_semaphore, #tpu.memory_space<semaphore_mem>>
      %dma_start3A_108 = arith.constant 0 : i32
      %dma_start3A_109 = tpu.memref_slice %arg5[%mul3A_2, %dma_start3A_108] : memref<4096x128xf32, #tpu.memory_space<hbm>> -> memref<128x128xf32, #tpu.memory_space<hbm>>
      %dma_start3A_110 = arith.constant 0 : i32
      %dma_start3A_111 = tpu.memref_slice %arg5[%mul3A_2, %dma_start3A_110] : memref<4096x128xf32, #tpu.memory_space<hbm>> -> memref<128x128xf32, #tpu.memory_space<hbm>>
      tpu.enqueue_dma source(%arg8 : memref<128x128xf32, #tpu.memory_space<vmem>>) target(%dma_start3A_111 : memref<128x128xf32, #tpu.memory_space<hbm>>) target_semaphore(%run_scoped3A : memref<!tpu.dma_semaphore, #tpu.memory_space<semaphore_mem>>)
      %dma_wait3A_112 = arith.constant 0 : i32
      %dma_wait3A_113 = tpu.memref_slice %arg5[%mul3A_2, %dma_wait3A_112] : memref<4096x128xf32, #tpu.memory_space<hbm>> -> memref<128x128xf32, #tpu.memory_space<hbm>>
      %dma_wait3A_114 = arith.constant 0 : i32
      %dma_wait3A_115 = tpu.memref_slice %arg5[%mul3A_2, %dma_wait3A_114] : memref<4096x128xf32, #tpu.memory_space<hbm>> -> memref<128x128xf32, #tpu.memory_space<hbm>>
      tpu.wait_dma2 semaphore(%run_scoped3A : memref<!tpu.dma_semaphore, #tpu.memory_space<semaphore_mem>>) src(%arg8 : memref<128x128xf32, #tpu.memory_space<vmem>>) dst(%dma_wait3A_115 : memref<128x128xf32, #tpu.memory_space<hbm>>)
      tpu.yield
    }) : () -> ()
    return
  }
}

module attributes {stable_mosaic.version = 14 : i64} {
  func.func @_tc_mlp_body(%arg0: i32, %arg1: memref<512x128xf32, #tpu.memory_space<vmem>>, %arg2: memref<32x128xf32, #tpu.memory_space<vmem>>, %arg3: memref<1x128xf32, #tpu.memory_space<vmem>>, %arg4: memref<1024x128xf32, #tpu.memory_space<vmem>>, %arg5: memref<1x1024xf32, #tpu.memory_space<vmem>>, %arg6: memref<512x1024xf32, #tpu.memory_space<vmem>>, %arg7: memref<1x512xf32, #tpu.memory_space<vmem>>, %arg8: memref<512x512xf32, #tpu.memory_space<vmem>>) attributes {dimension_semantics = [#tpu.dimension_semantics<arbitrary>], iteration_bounds = array<i64: 8>, scalar_prefetch = 0 : i64, scratch_operands = 0 : i64, tpu.core_type = #tpu.core_type<tc>, window_params = [{transform_indices = @transform_0, window_bounds = array<i64: 512, 128>}, {pipeline_mode = #tpu.pipeline_mode<synchronous>, transform_indices = @transform_1, window_bounds = array<i64: 32, 128>}, {pipeline_mode = #tpu.pipeline_mode<synchronous>, transform_indices = @transform_2, window_bounds = array<i64: 1, 128>}, {pipeline_mode = #tpu.pipeline_mode<synchronous>, transform_indices = @transform_3, window_bounds = array<i64: 1024, 128>}, {pipeline_mode = #tpu.pipeline_mode<synchronous>, transform_indices = @transform_4, window_bounds = array<i64: 1, 1024>}, {pipeline_mode = #tpu.pipeline_mode<synchronous>, transform_indices = @transform_5, window_bounds = array<i64: 512, 1024>}, {pipeline_mode = #tpu.pipeline_mode<synchronous>, transform_indices = @transform_6, window_bounds = array<i64: 1, 512>}, {transform_indices = @transform_7, window_bounds = array<i64: 512, 512>}]} {
    %get3A = arith.constant 0 : index
    %get3A_0 = arith.constant 0 : index
    %get3A_1 = vector.load %arg2[%get3A, %get3A_0] : memref<32x128xf32, #tpu.memory_space<vmem>>, vector<32x128xf32>
    %reduce_sum3A = arith.constant dense<0.000000e+00> : vector<128xf32>
    %reduce_sum3A_2 = vector.multi_reduction <add>, %get3A_1, %reduce_sum3A [0] : vector<32x128xf32> to vector<128xf32>
    %broadcast_in_dim3A = vector.shape_cast %reduce_sum3A_2 : vector<128xf32> to vector<1x128xf32>
    %get3A_3 = arith.constant 0 : index
    %get3A_4 = arith.constant 0 : index
    %get3A_5 = vector.load %arg3[%get3A_3, %get3A_4] : memref<1x128xf32, #tpu.memory_space<vmem>>, vector<1x128xf32>
    %mul3A = arith.constant 2.550000e+02 : f32
    %mul3A_6 = vector.broadcast %mul3A : f32 to vector<1x128xf32>
    %mul3A_7 = arith.mulf %mul3A_6, %get3A_5 : vector<1x128xf32>
    %sub3A = arith.subf %broadcast_in_dim3A, %mul3A_7 : vector<1x128xf32>
    %mul3A_8 = arith.constant 4.98243708E-6 : f32
    %mul3A_9 = vector.broadcast %mul3A_8 : f32 to vector<1x128xf32>
    %mul3A_10 = arith.mulf %sub3A, %mul3A_9 : vector<1x128xf32>
    %iota3A = tpu.iota {dimensions = array<i32: 0>} : vector<512x1xi32>
    %mul3A_11 = arith.constant 512 : i32
    %mul3A_12 = arith.muli %arg0, %mul3A_11 : i32
    %add3A = vector.broadcast %mul3A_12 : i32 to vector<512x1xi32>
    %add3A_13 = arith.addi %iota3A, %add3A : vector<512x1xi32>
    %eq3A = arith.constant 4095 : i32
    %eq3A_14 = vector.broadcast %eq3A : i32 to vector<512x1xi32>
    %eq3A_15 = arith.cmpi eq, %add3A_13, %eq3A_14 : vector<512x1xi32>
    %get3A_16 = arith.constant 0 : index
    %get3A_17 = arith.constant 0 : index
    %get3A_18 = vector.load %arg1[%get3A_16, %get3A_17] : memref<512x128xf32, #tpu.memory_space<vmem>>, vector<512x128xf32>
    %broadcast_in_dim3A_19 = vector.shape_cast %eq3A_15 : vector<512x1xi1> to vector<512x1xi1>
    %broadcast_in_dim3A_20 = vector.broadcast %broadcast_in_dim3A_19 : vector<512x1xi1> to vector<512x128xi1>
    %broadcast_in_dim3A_21 = vector.shape_cast %mul3A_10 : vector<1x128xf32> to vector<1x128xf32>
    %broadcast_in_dim3A_22 = vector.broadcast %broadcast_in_dim3A_21 : vector<1x128xf32> to vector<512x128xf32>
    %select_n3A = arith.select %broadcast_in_dim3A_20, %broadcast_in_dim3A_22, %get3A_18 : vector<512x128xi1>, vector<512x128xf32>
    %get3A_23 = arith.constant 0 : index
    %get3A_24 = arith.constant 0 : index
    %get3A_25 = vector.load %arg4[%get3A_23, %get3A_24] : memref<1024x128xf32, #tpu.memory_space<vmem>>, vector<1024x128xf32>
    %dot_general3A = arith.constant dense<0.000000e+00> : vector<512x1024xf32>
    %dot_general3A_26 = tpu.matmul %select_n3A, %get3A_25, %dot_general3A {dimension_numbers = #tpu.dot_dimension_numbers<[1], [1], [0], [0], [0, 0, 1, 0], [], []>, transpose_lhs_hint = false} : vector<512x128xf32>, vector<1024x128xf32>, vector<512x1024xf32> -> vector<512x1024xf32>
    %get3A_27 = arith.constant 0 : index
    %get3A_28 = arith.constant 0 : index
    %get3A_29 = vector.load %arg5[%get3A_27, %get3A_28] : memref<1x1024xf32, #tpu.memory_space<vmem>>, vector<1x1024xf32>
    %add3A_30 = vector.broadcast %get3A_29 : vector<1x1024xf32> to vector<512x1024xf32>
    %add3A_31 = arith.addf %dot_general3A_26, %add3A_30 : vector<512x1024xf32>
    %tanh3A = math.tanh %add3A_31 : vector<512x1024xf32>
    %get3A_32 = arith.constant 0 : index
    %get3A_33 = arith.constant 0 : index
    %get3A_34 = vector.load %arg6[%get3A_32, %get3A_33] : memref<512x1024xf32, #tpu.memory_space<vmem>>, vector<512x1024xf32>
    %dot_general3A_35 = arith.constant dense<0.000000e+00> : vector<512x512xf32>
    %dot_general3A_36 = tpu.matmul %tanh3A, %get3A_34, %dot_general3A_35 {dimension_numbers = #tpu.dot_dimension_numbers<[1], [1], [0], [0], [0, 0, 1, 0], [], []>, transpose_lhs_hint = false} : vector<512x1024xf32>, vector<512x1024xf32>, vector<512x512xf32> -> vector<512x512xf32>
    %get3A_37 = arith.constant 0 : index
    %get3A_38 = arith.constant 0 : index
    %get3A_39 = vector.load %arg7[%get3A_37, %get3A_38] : memref<1x512xf32, #tpu.memory_space<vmem>>, vector<1x512xf32>
    %add3A_40 = vector.broadcast %get3A_39 : vector<1x512xf32> to vector<512x512xf32>
    %add3A_41 = arith.addf %dot_general3A_36, %add3A_40 : vector<512x512xf32>
    %swap3A = arith.constant 0 : index
    %swap3A_42 = arith.constant 0 : index
    %swap3A_43 = vector.load %arg8[%swap3A, %swap3A_42] : memref<512x512xf32, #tpu.memory_space<vmem>>, vector<512x512xf32>
    tpu.vector_store %arg8[%swap3A, %swap3A_42], %add3A_41 {strides = array<i32>} : memref<512x512xf32, #tpu.memory_space<vmem>>, vector<512x512xf32>,
    return
  }
  func.func @transform_0(%arg0: i32) -> (i32, i32) {
    %c0_i32 = arith.constant 0 : i32
    %c0_i32_0 = arith.constant 0 : i32
    return %arg0, %c0_i32 : i32, i32
  }
  func.func @transform_1(%arg0: i32) -> (i32, i32) {
    %c0_i32 = arith.constant 0 : i32
    %c0_i32_0 = arith.constant 0 : i32
    %c0_i32_1 = arith.constant 0 : i32
    return %c0_i32, %c0_i32_0 : i32, i32
  }
  func.func @transform_2(%arg0: i32) -> (i32, i32) {
    %c0_i32 = arith.constant 0 : i32
    %c0_i32_0 = arith.constant 0 : i32
    %c0_i32_1 = arith.constant 0 : i32
    return %c0_i32, %c0_i32_0 : i32, i32
  }
  func.func @transform_3(%arg0: i32) -> (i32, i32) {
    %c0_i32 = arith.constant 0 : i32
    %c0_i32_0 = arith.constant 0 : i32
    %c0_i32_1 = arith.constant 0 : i32
    return %c0_i32, %c0_i32_0 : i32, i32
  }
  func.func @transform_4(%arg0: i32) -> (i32, i32) {
    %c0_i32 = arith.constant 0 : i32
    %c0_i32_0 = arith.constant 0 : i32
    %c0_i32_1 = arith.constant 0 : i32
    return %c0_i32, %c0_i32_0 : i32, i32
  }
  func.func @transform_5(%arg0: i32) -> (i32, i32) {
    %c0_i32 = arith.constant 0 : i32
    %c0_i32_0 = arith.constant 0 : i32
    %c0_i32_1 = arith.constant 0 : i32
    return %c0_i32, %c0_i32_0 : i32, i32
  }
  func.func @transform_6(%arg0: i32) -> (i32, i32) {
    %c0_i32 = arith.constant 0 : i32
    %c0_i32_0 = arith.constant 0 : i32
    %c0_i32_1 = arith.constant 0 : i32
    return %c0_i32, %c0_i32_0 : i32, i32
  }
  func.func @transform_7(%arg0: i32) -> (i32, i32) {
    %c0_i32 = arith.constant 0 : i32
    %c0_i32_0 = arith.constant 0 : i32
    return %arg0, %c0_i32 : i32, i32
  }
}

</mosaic_0001>

<sc_bundles>
// kernel: kernel.4.cloned.1.call-start
scs
__scs_entry_jumppad:
0x0: {  	(pc) =	sbr.rel $0x88, $3  }
0x1: {  	(tag) =	ssettag $0x0;
	lr =	simm.s32 $0x1  }
0x2: {  	[smem:$0x3F9B] =	sst lr;
	_ =	strace $0xD0000000  }
0x3: {  	_ = 	snop  }
0x4: {  	_ = 	snop  }
0x5: {  	_ = 	snop  }
0x6: {  	_ = 	snop  }
0x7: {  	_ = 	snop  }
__scs_overlays_trampoline_lowered:
0x8: {  	[smem:$0x3FAA] =	sst s0  }
0x9: {  	[smem:$0x3FAB] =	sst s1  }
0xa: {  	[smem:$0x3FAC] =	sst s2  }
0xb: {  	[smem:$0x3FAD] =	sst s3  }
0xc: {  	[smem:$0x3FAE] =	sst s4  }
0xd: {  	[smem:$0x3FAF] =	sst s5  }
0xe: {  	[smem:$0x3FB0] =	sst s6  }
0xf: {  	[smem:$0x3FB1] =	sst s7  }
0x10: {  	[smem:$0x3FB2] =	sst s8  }
0x11: {  	[smem:$0x3FB3] =	sst s9;
	s0 =	simm.s32 @!p0 $0x0  }
0x12: {  	s1 =	sld [smem:$0x3F99];
	s0 =	simm.s32 @p0 $0x1  }
0x13: {  	[smem:$0x3FB4] =	sst s0;
	s0 =	simm.s32 @!p1 $0x0  }
0x14: {  	s2 =	sld [smem:$0x3F98];
	s0 =	simm.s32 @p1 $0x1  }
0x15: {  	[smem:$0x3FB5] =	sst s0;
	s0 =	simm.s32 @!p2 $0x0  }
0x16: {  	s3 =	sld [smem:$0x3FDB];
	s0 =	simm.s32 @p2 $0x1  }
0x17: {  	s4 =	simm.s32 $0x1BF5;
	[smem:$0x3FB7] =	sst s0  }
0x18: {  	s0 =	sld [smem:$0x3F9A];
	_ =	swait.ge [sflag:s4], $0x0  }
0x19: {  	s7 =	sld [smem:$0x3F9B]  }
0x1a: {  	s8 =	sadd.s32 $0xFFFFE003, lr  }
0x1b: {  	s9 =	sadd.s32 $0xFFFFFEF7, lr;
	s5 =	simm.s32 $0xFFFFFFFF;
	p2 =	slt.u32 s8, $0xFFFFF086  }
0x1c: {  	p1 =	slt.u32 s9, $0xF7A;
	s5 =	simm.s32 @!p2 $0x0  }
0x1d: {  	s5 =	simm.s32 @p1 $0x1;
	p0 =	seq.s32 s7, s2  }
0x1e: {  	s7 =	smul.u32 @!p0 $0xF7A, s2;
	p2 =	seq.s32 @!p0 s5, $0x0  }
0x1f: {  	s9 =	smul.u32 $0xF7A, s1;
	s8 =	simm.s32 @!p0 $0x1BF5;
	p2 =	por !p2, p0  }
0x20: {  	[sflag:s8] =	ssyncset.s32 @!p0 $0xFFFFF086;
	s6 =	sadd.s32 @!p0 s3, s7;
	s7 =	simm.s32 @!p0 $0x108  }
0x21: {  	s3 =	sadd.s32 s3, s9;
	s6 =	sadd.s32 @!p0 $0x88, s6;
	s7 =	simm.s32 @p2 $0x1082  }
0x22: {  	[simem:s7], [sflag:s8] =	dma.local @!p0 [hbm:s6], $0xF7A  }
0x23: {  	s9 =	sor.u32 $0xD0000000, s2;
	s6 =	simm.s32 $0x108;
	_ =	swait.ge @!p0 [sflag:s8], $0x0  }
0x24: {  	s3 =	sadd.s32 $0x88, s3;
	s6 =	simm.s32 @!p1 $0x1082;
	[sflag:s4] =	ssyncset.s32 $0xFFFFF086  }
0x25: {  	[simem:s6], [sflag:s4] =	dma.local [hbm:s3], $0xF7A  }
0x26: {  	[smem:$0x3F9B] =	sst s1;
	(tag) =	ssettag s2;
	_ =	strace s9  }
0x27: {  	s1 =	sld [smem:$0x3FAB]  }
0x28: {  	s2 =	sld [smem:$0x3FAC]  }
0x29: {  	s4 =	sld [smem:$0x3FAE]  }
0x2a: {  	p0 =	seq.s32 s5, $0x0;
	s5 =	sld [smem:$0x3FAF]  }
0x2b: {  	s6 =	sld [smem:$0x3FB0]  }
0x2c: {  	s7 =	sld [smem:$0x3FB1]  }
0x2d: {  	s3 =	simm.s32 $0x108;
	s8 =	sld [smem:$0x3FB2]  }
0x2e: {  	s3 =	simm.s32 @!p0 $0x1082;
	s9 =	sld [smem:$0x3FB3]  }
0x2f: {  	lr =	sadd.s32 s0, s3;
	s0 =	sld [smem:$0x3FAA]  }
0x30: {  	s3 =	sld [smem:$0x3FAD]  }
0x31: {  	[smem:$0x3FB6] =	sst s10  }
0x32: {  	s10 =	sld [smem:$0x3FB4];
	_ =	sdelay $0x3  }
0x33: {  	p0 =	seq.s32 s10, $0x1;
	s10 =	sld [smem:$0x3FB6];
	_ =	sdelay $0x3  }
0x34: {  	[smem:$0x3FB6] =	sst s10  }
0x35: {  	s10 =	sld [smem:$0x3FB5];
	_ =	sdelay $0x3  }
0x36: {  	p1 =	seq.s32 s10, $0x1;
	s10 =	sld [smem:$0x3FB6];
	_ =	sdelay $0x3  }
0x37: {  	[smem:$0x3FB6] =	sst s10  }
0x38: {  	s10 =	sld [smem:$0x3FB7]  }
0x39: {  	_ = 	snop;
	(pc) =	sbr.ind lr, $3  }
0x3a: {  	_ = 	snop  }
0x3b: {  	_ = 	snop  }
0x3c: {  	p2 =	seq.s32 s10, $0x1;
	s10 =	sld [smem:$0x3FB6]  }
0x3d: {  	_ =	shalt  }
0x3e: {  	_ =	shalt  }
0x3f: {  	_ =	shalt  }
0x40: {  	_ =	shalt  }
0x41: {  	_ =	shalt  }
0x42: {  	_ =	shalt  }
0x43: {  	_ =	shalt  }
0x44: {  	_ =	shalt  }
0x45: {  	_ =	shalt  }
0x46: {  	_ =	shalt  }
0x47: {  	_ =	shalt  }
0x48: {  	_ =	shalt  }
0x49: {  	_ =	shalt  }
0x4a: {  	_ =	shalt  }
0x4b: {  	_ =	shalt  }
0x4c: {  	_ =	shalt  }
0x4d: {  	_ =	shalt  }
0x4e: {  	_ =	shalt  }
0x4f: {  	_ =	shalt  }
0x50: {  	_ =	shalt  }
0x51: {  	_ =	shalt  }
0x52: {  	_ =	shalt  }
0x53: {  	_ =	shalt  }
0x54: {  	_ =	shalt  }
0x55: {  	_ =	shalt  }
0x56: {  	_ =	shalt  }
0x57: {  	_ =	shalt  }
0x58: {  	_ =	shalt  }
0x59: {  	_ =	shalt  }
0x5a: {  	_ =	shalt  }
0x5b: {  	_ =	shalt  }
0x5c: {  	_ =	shalt  }
0x5d: {  	_ =	shalt  }
0x5e: {  	_ =	shalt  }
0x5f: {  	_ =	shalt  }
0x60: {  	_ =	shalt  }
0x61: {  	_ =	shalt  }
0x62: {  	_ =	shalt  }
0x63: {  	_ =	shalt  }
0x64: {  	_ =	shalt  }
0x65: {  	_ =	shalt  }
0x66: {  	_ =	shalt  }
0x67: {  	_ =	shalt  }
0x68: {  	_ =	shalt  }
0x69: {  	_ =	shalt  }
0x6a: {  	_ =	shalt  }
0x6b: {  	_ =	shalt  }
0x6c: {  	_ =	shalt  }
0x6d: {  	_ =	shalt  }
0x6e: {  	_ =	shalt  }
0x6f: {  	_ =	shalt  }
0x70: {  	_ =	shalt  }
0x71: {  	_ =	shalt  }
0x72: {  	_ =	shalt  }
0x73: {  	_ =	shalt  }
0x74: {  	_ =	shalt  }
0x75: {  	_ =	shalt  }
0x76: {  	_ =	shalt  }
0x77: {  	_ =	shalt  }
0x78: {  	_ =	shalt  }
0x79: {  	_ =	shalt  }
0x7a: {  	_ =	shalt  }
0x7b: {  	_ =	shalt  }
0x7c: {  	_ =	shalt  }
0x7d: {  	_ =	shalt  }
0x7e: {  	_ =	shalt  }
0x7f: {  	_ =	shalt  }
0x80: {  	_ =	shalt  }
0x81: {  	_ =	shalt  }
0x82: {  	_ =	shalt  }
0x83: {  	_ =	shalt  }
0x84: {  	_ =	shalt  }
0x85: {  	_ =	shalt  }
0x86: {  	_ =	shalt  }
0x87: {  	_ =	shalt  }
.Lfunc_end0:
.L_simem_size_0:
called_computation_lowered:
.L_overlay_start_0:
0x88: {  	s2 =	sld [smem:$0x3FD9]  }
0x89: {  	s3 =	sld [smem:$0x3FFE];
	_ =	sdelay $0x1  }
0x8a: {  	s1 =	srdreg.scid  }
0x8b: {  	s0 =	sand.u32 $0x1, s1  }
0x8c: {  	s17 =	sshll.u32 s0, $0xA;
	s2 =	sadd.s32 s3, s2  }
0x8d: {  	s2 =	sadd.s32 s2, s17  }
0x8e: {  	[smem:$0x3FC2] =	sst s2  }
0x8f: {  	_ = 	snop  }
0x90: {  	s2 =	sld [smem:$0x3FC8]  }
0x91: {  	s18 =	sld [smem:$0x3FD0];
	(tm) =	ssettm $0x1  }
0x92: {  	s4 =	sld [smem:$0x3FFB];
	_ =	sdelay $0x3  }
0x93: {  	_ =	strace s4  }
0x94: {  	s4 =	sld [smem:$0x3FFC];
	_ =	sdelay $0x3  }
0x95: {  	_ =	strace s4  }
0x96: {  	s4 =	sld [smem:$0x3FFD];
	_ =	sdelay $0x3  }
0x97: {  	_ =	strace s4  }
0x98: {  	_ =	strace $0x8FFFFFFF  }
0x99: {  	s19 =	sld [smem:$0x3FDB];
	_ =	sdelay $0x1  }
0x9a: {  	s5 =	simm.s32 $_scs_section_size  }
0x9b: {  	s6 =	simm.s32 $_size__tile_overlayer_lowered;
	s7 =	simm.s32 $_tile_overlayer_lowered  }
0x9c: {  	s22 =	simm.s32 $0x1BFF;
	s21 =	sshll.u32 s7, $0x1;
	s4 =	sadd.s32 s5, s19  }
0x9d: {  	s8 =	simm.s32 $0x0;
	s20 =	sshll.u32 s6, $0x1;
	s6 =	sadd.s32 s21, s4  }
0x9e: {  	[timem:s8], [sflag:s22] =	dma.local [hbm:s6], s20  }
0x9f: {  	_ =	swait.ge [sflag:s22], s20  }
0xa0: {  	s5 =	ssub.s32 $0x0, s20;
	[sflag:s22] =	ssyncset.done $0x0  }
0xa1: {  	[sflag:s22] =	ssyncadd.s32 s5;
	_ =	sdelay $0x1  }
0xa2: {  	s23 =	simm.s32 $0x1B8B  }
0xa3: {  	_ =	swait.ge [sflag:s23], $0x1  }
0xa4: {  	[sflag:s23] =	ssyncset.done $0x0  }
0xa5: {  	s25 =	simm.s32 $0x1B8E;
	s24 =	sld [smem:$0x3FFE];
	[sflag:s23] =	ssyncadd.s32 $0xFFFFFFFF  }
0xa6: {  	s26 =	simm.s32 $execute0_lowered;
	[smem:$0x3FD2] =	sst s25  }
0xa7: {  	s6 =	sshll.u32 s26, $0x1;
	_ =	strace $0x80000046;
	[dreg:$0x1] =	wrdreg $0xFFFFFFFF  }
0xa8: {  	s28 =	simm.s32 $_size_execute0_lowered;
	s4 =	sadd.s32 s4, s6;
	[dreg:$0x0] =	wrdreg $0x0  }
0xa9: {  	s6 =	sshll.u32 s28, $0x1;
	[dreg:$0x2] =	wrdreg s4  }
0xaa: {  	[dreg:$0x3] =	wrdreg s6  }
0xab: {  	[dreg:$0x4] =	wrdreg $0xC0  }
0xac: {  	_ =	task [dreg:s8], $0x5FFFF  }
0xad: {  	[dreg:$0x1] =	wrdreg $0xFFFFFFFF  }
0xae: {  	[dreg:$0x0] =	wrdreg $0x60  }
0xaf: {  	[dreg:$0x2] =	wrdreg s24  }
0xb0: {  	[dreg:$0x3] =	wrdreg s2  }
0xb1: {  	[dreg:$0x4] =	wrdreg s18  }
0xb2: {  	[dreg:$0x5] =	wrdreg $0x9  }
0xb3: {  	_ =	task.clear_ibuf [dreg:s8], $0x6FFFF;
	_ =	strace $0x90000046  }
0xb4: {  	s29 =	simm.s32 $0x9;
	_ =	strace $0x80000048  }
0xb5: {  	_ =	swait.ge [sflag:s29], $0x1  }
0xb6: {  	[sflag:s29] =	ssyncadd.s32 $0xFFFFFFFF  }
0xb7: {  	_ =	strace $0x90000048  }
0xb8: {  	_ =	sfence  }
0xb9: {  	s30 =	sld [smem:$0x0];
	_ =	sdelay $0x2  }
0xba: {  	s31 =	sshll.u32 s1, $0xD;
	s1 =	sshrl.u32 s1, $0x2  }
0xbb: {  	s3 =	sand.u32 $0x4000, s31;
	s1 =	sadd.s32 s1, s30  }
0xbc: {  	s0 =	sor.u32 s3, s0;
	s1 =	sshll.u32 s1, $0x11  }
0xbd: {  	s0 =	sor.u32 s1, s0  }
0xbe: {  	s0 =	sadd.s32 $0x8F2B, s0  }
0xbf: {  	[sflag:s0] =	ssyncadd.remote.s32 $0x1  }
0xc0: {  	_ =	sfence.sel $0xFFFF  }
0xc1: {  	[dreg:$0x0] =	wrdreg $0xFFFFFFFF;
	(pc) =	sbr.abs _section_cstart, $3  }
0xc2: {  	[dreg:$0x1] =	wrdreg $0xFFFFFFFF  }
0xc3: {  	_ =	task.clear_ibuf [dreg:s8], $0x2FFFF;
	_ =	strace $0x9FFFFFFF  }
0xc4: {  	(tm) =	ssettm $0x7FFFFFFF  }
0xc5: {  	_ =	shalt  }
tec
execute0_lowered:
.L_overlay_start_1:
0x0: {  	(tag) =	ssettag $0x1  }
0x1: {  	s0 =	rddreg [dreg:$0x0]  }
0x2: {  	s2 =	rddreg [dreg:$0x1]  }
0x3: {  	s1 =	rddreg [dreg:$0x2];
	s4 =	srdreg.scid  }
0x4: {  	s5 =	stileid.u32;
	s3 =	simm.s32 $0x0;
	s9 =	simm.s32 $0xA  }
0x5: {  	s12 =	simm.s32 $0x28;
	s13 =	simm.s32 $0x5980;
	s14 =	simm.s32 $0x6D80  }
0x6: {  	s15 =	simm.s32 $0x8180;
	s16 =	simm.s32 $0x9580;
	s17 =	simm.s32 $0xA980  }
0x7: {  	s18 =	simm.s32 $0xBD80;
	s19 =	simm.s32 $0xD180;
	s20 =	simm.s32 $0xE580  }
0x8: {  	s21 =	simm.s32 $0x2;
	s22 =	simm.s32 $0x3;
	s23 =	simm.s32 $0x4  }
0x9: {  	s24 =	simm.s32 $0x5;
	s25 =	simm.s32 $0x6;
	s28 =	simm.s32 $0x8  }
0xa: {  	s29 =	simm.s32 $0x9;
	s4 =	sand.u32 $0x1, s4;
	s5 =	sshll.u32 s5, $0x1  }
0xb: {  	s31 =	simm.s32 $0x1;
	[smem:$0x7FF] =	sst s3;
	s7 =	sor.u32 s4, s5  }
0xc: {  	s4 =	ssub.s32 $0x2, s4;
	_ =	strace $0x80000047;
	s5 =	smul.u32 $0x311, s7  }
0xd: {  	s6 =	sshll.u32 s7, $0x4;
	s8 =	sshrl.u32 s4, $0x1;
	s30 =	sshll.u32 s7, $0xB  }
0xe: {  	s6 =	sadd.s32 s6, s0;
	s8 =	ssub.s32 s4, s8;
	s7 =	sadd.s32 s1, s30  }
0xf: {  	s4 =	simm.s32 $0x80;
	s0 =	sadd.s32 s5, s0;
	s26 =	sadd.s32 $0x1400, s6  }
0x10: {  	s6 =	sadd.s32 $0x7A00, s6;
	s8 =	smax.u32 s8, $0x1;
	[dreg:$0x4] =	wrdreg s26  }
0x11: {  	v0 =	vimm.f32 $0.0e+00;
	s5 =	sadd.s32 $0x1600, s0;
	s26 =	simm.s32 $0x7;
	s0 =	simm.s32 $0x0  }
.LBB2_1:
0x12: {  	s1 =	rddreg [dreg:$0x4]  }
0x13: {  	[tilespmem:s3], [sflag:$0xA] =	stream.linear.gather [hbm4b:s1+s3], $0x80, $0x38;
	[tilespmem:$0xFA00] =	vst v63  }
0x14: {  	_ =	swait.ge [sflag:s9], $0x80  }
0x15: {  	[sflag:s9] =	ssyncset.done $0x0  }
0x16: {  	[sflag:s9] =	ssyncadd.s32 $0xFFFFFF80  }
0x17: {  	[tilespmem:s4], [sflag:$0x1] =	stream.indirect.gather [hbm4b:s2+s4], $0x80, s3, s4, $0xb8;
	[tilespmem:$0xFA00] =	vst v63  }
0x18: {  	s30 =	simm.s32 $0x4080  }
0x19: {  	[tilespmem:s30], [sflag:$0xA] =	stream.linear.gather [hbm4b:s5+s3], $0x1888, $0x38;
	[tilespmem:$0xFA00] =	vst v63  }
0x1a: {  	_ =	swait.ge [sflag:s9], $0x1888  }
0x1b: {  	[sflag:s9] =	ssyncset.done $0x0  }
0x1c: {  	s11 =	simm.s32 $0x200;
	s1 =	simm.s32 $0x0;
	[sflag:s9] =	ssyncadd.s32 $0xFFFFE778  }
.LBB2_2:
0x1d: {  	p0 =	sne.s32 s11, $0x4E00;
	[tilespmem:s1+$0xE5F0] =	vst v0  }
0x1e: {  	[tilespmem:s1+$0x5980] =	vst v0  }
0x1f: {  	[tilespmem:s1+$0x5990] =	vst v0  }
0x20: {  	[tilespmem:s1+$0x59A0] =	vst v0  }
0x21: {  	[tilespmem:s1+$0x59B0] =	vst v0  }
0x22: {  	[tilespmem:s1+$0x59C0] =	vst v0  }
0x23: {  	[tilespmem:s1+$0x59D0] =	vst v0  }
0x24: {  	[tilespmem:s1+$0x59E0] =	vst v0  }
0x25: {  	[tilespmem:s1+$0x59F0] =	vst v0  }
0x26: {  	[tilespmem:s1+$0x6D80] =	vst v0  }
0x27: {  	[tilespmem:s1+$0x6D90] =	vst v0  }
0x28: {  	[tilespmem:s1+$0x6DA0] =	vst v0  }
0x29: {  	[tilespmem:s1+$0x6DB0] =	vst v0  }
0x2a: {  	[tilespmem:s1+$0x6DC0] =	vst v0  }
0x2b: {  	[tilespmem:s1+$0x6DD0] =	vst v0  }
0x2c: {  	[tilespmem:s1+$0x6DE0] =	vst v0  }
0x2d: {  	[tilespmem:s1+$0x6DF0] =	vst v0  }
0x2e: {  	[tilespmem:s1+$0x8180] =	vst v0  }
0x2f: {  	[tilespmem:s1+$0x8190] =	vst v0  }
0x30: {  	[tilespmem:s1+$0x81A0] =	vst v0  }
0x31: {  	[tilespmem:s1+$0x81B0] =	vst v0  }
0x32: {  	[tilespmem:s1+$0x81C0] =	vst v0  }
0x33: {  	[tilespmem:s1+$0x81D0] =	vst v0  }
0x34: {  	[tilespmem:s1+$0x81E0] =	vst v0  }
0x35: {  	[tilespmem:s1+$0x81F0] =	vst v0  }
0x36: {  	[tilespmem:s1+$0x9580] =	vst v0  }
0x37: {  	[tilespmem:s1+$0x9590] =	vst v0  }
0x38: {  	[tilespmem:s1+$0x95A0] =	vst v0  }
0x39: {  	[tilespmem:s1+$0x95B0] =	vst v0  }
0x3a: {  	[tilespmem:s1+$0x95C0] =	vst v0  }
0x3b: {  	[tilespmem:s1+$0x95D0] =	vst v0  }
0x3c: {  	[tilespmem:s1+$0x95E0] =	vst v0  }
0x3d: {  	[tilespmem:s1+$0x95F0] =	vst v0  }
0x3e: {  	[tilespmem:s1+$0xA980] =	vst v0  }
0x3f: {  	[tilespmem:s1+$0xA990] =	vst v0  }
0x40: {  	[tilespmem:s1+$0xA9A0] =	vst v0  }
0x41: {  	[tilespmem:s1+$0xA9B0] =	vst v0  }
0x42: {  	[tilespmem:s1+$0xA9C0] =	vst v0  }
0x43: {  	[tilespmem:s1+$0xA9D0] =	vst v0  }
0x44: {  	[tilespmem:s1+$0xA9E0] =	vst v0  }
0x45: {  	[tilespmem:s1+$0xA9F0] =	vst v0  }
0x46: {  	[tilespmem:s1+$0xBD80] =	vst v0  }
0x47: {  	[tilespmem:s1+$0xBD90] =	vst v0  }
0x48: {  	[tilespmem:s1+$0xBDA0] =	vst v0  }
0x49: {  	[tilespmem:s1+$0xBDB0] =	vst v0  }
0x4a: {  	[tilespmem:s1+$0xBDC0] =	vst v0  }
0x4b: {  	[tilespmem:s1+$0xBDD0] =	vst v0  }
0x4c: {  	[tilespmem:s1+$0xBDE0] =	vst v0  }
0x4d: {  	[tilespmem:s1+$0xBDF0] =	vst v0  }
0x4e: {  	[tilespmem:s1+$0xD180] =	vst v0  }
0x4f: {  	[tilespmem:s1+$0xD190] =	vst v0  }
0x50: {  	[tilespmem:s1+$0xD1A0] =	vst v0  }
0x51: {  	[tilespmem:s1+$0xD1B0] =	vst v0  }
0x52: {  	[tilespmem:s1+$0xD1C0] =	vst v0  }
0x53: {  	[tilespmem:s1+$0xD1D0] =	vst v0  }
0x54: {  	[tilespmem:s1+$0xD1E0] =	vst v0  }
0x55: {  	[tilespmem:s1+$0xD1F0] =	vst v0  }
0x56: {  	[tilespmem:s1+$0xE580] =	vst v0  }
0x57: {  	[tilespmem:s1+$0xE590] =	vst v0  }
.Ltmp0:
0x58: {  	[tilespmem:s1+$0xE5A0] =	vst v0;
	(pc) =	sbr.rel @p0 .LBB2_2-.Ltmp0, $4  }
0x59: {  	[tilespmem:s1+$0xE5B0] =	vst v0  }
0x5a: {  	[tilespmem:s1+$0xE5C0] =	vst v0  }
0x5b: {  	[tilespmem:s1+$0xE5D0] =	vst v0  }
0x5c: {  	[tilespmem:s1+$0xE5E0] =	vst v0;
	s1 =	sshra.s32 s11, $0x2;
	s11 =	sadd.s32 $0x200, s11  }
0x5d: {  	[tilespmem:s1+$0xE5F0] =	vst v0  }
0x5e: {  	[tilespmem:s1+$0x5980] =	vst v0  }
0x5f: {  	[tilespmem:s1+$0x5990] =	vst v0  }
0x60: {  	[tilespmem:s1+$0x59A0] =	vst v0  }
0x61: {  	[tilespmem:s1+$0x59B0] =	vst v0  }
0x62: {  	[tilespmem:s1+$0x59C0] =	vst v0  }
0x63: {  	[tilespmem:s1+$0x59D0] =	vst v0  }
0x64: {  	[tilespmem:s1+$0x59E0] =	vst v0  }
0x65: {  	[tilespmem:s1+$0x59F0] =	vst v0  }
0x66: {  	[tilespmem:s1+$0x6D80] =	vst v0  }
0x67: {  	[tilespmem:s1+$0x6D90] =	vst v0  }
0x68: {  	[tilespmem:s1+$0x6DA0] =	vst v0  }
0x69: {  	[tilespmem:s1+$0x6DB0] =	vst v0  }
0x6a: {  	[tilespmem:s1+$0x6DC0] =	vst v0  }
0x6b: {  	[tilespmem:s1+$0x6DD0] =	vst v0  }
0x6c: {  	[tilespmem:s1+$0x6DE0] =	vst v0  }
0x6d: {  	[tilespmem:s1+$0x6DF0] =	vst v0  }
0x6e: {  	[tilespmem:s1+$0x8180] =	vst v0  }
0x6f: {  	[tilespmem:s1+$0x8190] =	vst v0  }
0x70: {  	[tilespmem:s1+$0x81A0] =	vst v0  }
0x71: {  	[tilespmem:s1+$0x81B0] =	vst v0  }
0x72: {  	[tilespmem:s1+$0x81C0] =	vst v0  }
0x73: {  	[tilespmem:s1+$0x81D0] =	vst v0  }
0x74: {  	[tilespmem:s1+$0x81E0] =	vst v0  }
0x75: {  	[tilespmem:s1+$0x81F0] =	vst v0  }
0x76: {  	[tilespmem:s1+$0x9580] =	vst v0  }
0x77: {  	[tilespmem:s1+$0x9590] =	vst v0  }
0x78: {  	[tilespmem:s1+$0x95A0] =	vst v0  }
0x79: {  	[tilespmem:s1+$0x95B0] =	vst v0  }
0x7a: {  	[tilespmem:s1+$0x95C0] =	vst v0  }
0x7b: {  	[tilespmem:s1+$0x95D0] =	vst v0  }
0x7c: {  	[tilespmem:s1+$0x95E0] =	vst v0  }
0x7d: {  	[tilespmem:s1+$0x95F0] =	vst v0  }
0x7e: {  	[tilespmem:s1+$0xA980] =	vst v0  }
0x7f: {  	[tilespmem:s1+$0xA990] =	vst v0  }
0x80: {  	[tilespmem:s1+$0xA9A0] =	vst v0  }
0x81: {  	[tilespmem:s1+$0xA9B0] =	vst v0  }
0x82: {  	[tilespmem:s1+$0xA9C0] =	vst v0  }
0x83: {  	[tilespmem:s1+$0xA9D0] =	vst v0  }
0x84: {  	[tilespmem:s1+$0xA9E0] =	vst v0  }
0x85: {  	[tilespmem:s1+$0xA9F0] =	vst v0  }
0x86: {  	[tilespmem:s1+$0xBD80] =	vst v0  }
0x87: {  	[tilespmem:s1+$0xBD90] =	vst v0  }
0x88: {  	[tilespmem:s1+$0xBDA0] =	vst v0  }
0x89: {  	[tilespmem:s1+$0xBDB0] =	vst v0  }
0x8a: {  	[tilespmem:s1+$0xBDC0] =	vst v0  }
0x8b: {  	[tilespmem:s1+$0xBDD0] =	vst v0  }
0x8c: {  	[tilespmem:s1+$0xBDE0] =	vst v0  }
0x8d: {  	[tilespmem:s1+$0xBDF0] =	vst v0  }
0x8e: {  	[tilespmem:s1+$0xD180] =	vst v0  }
0x8f: {  	[tilespmem:s1+$0xD190] =	vst v0  }
0x90: {  	[tilespmem:s1+$0xD1A0] =	vst v0  }
0x91: {  	[tilespmem:s1+$0xD1B0] =	vst v0  }
0x92: {  	[tilespmem:s1+$0xD1C0] =	vst v0  }
0x93: {  	[tilespmem:s1+$0xD1D0] =	vst v0  }
0x94: {  	[tilespmem:s1+$0xD1E0] =	vst v0  }
0x95: {  	[tilespmem:s1+$0xD1F0] =	vst v0  }
0x96: {  	[tilespmem:s1+$0xE580] =	vst v0  }
0x97: {  	[tilespmem:s1+$0xE590] =	vst v0  }
0x98: {  	[tilespmem:s1+$0xE5A0] =	vst v0  }
0x99: {  	[tilespmem:s1+$0xE5B0] =	vst v0  }
0x9a: {  	[tilespmem:s1+$0xE5C0] =	vst v0  }
0x9b: {  	[tilespmem:s1+$0xE5D0] =	vst v0  }
0x9c: {  	[tilespmem:s1+$0xE5E0] =	vst v0;
	s10 =	simm.s32 $0x4080  }
0x9d: {  	[tilespmem:s13], [sflag:$0x2] =	stream.indirect.gather.add.f32 [hbm:s2], $0x80, s10, s12, $0xb8;
	[tilespmem:$0xFA00] =	vst v63  }
0x9e: {  	s11 =	simm.s32 $0x40A8  }
0x9f: {  	[tilespmem:s14], [sflag:$0x3] =	stream.indirect.gather.add.f32 [hbm:s2], $0x80, s11, s12, $0xb8;
	[tilespmem:$0xFA00] =	vst v63  }
0xa0: {  	s4 =	simm.s32 $0x40D0  }
0xa1: {  	[tilespmem:s15], [sflag:$0x4] =	stream.indirect.gather.add.f32 [hbm:s2], $0x80, s4, s12, $0xb8;
	[tilespmem:$0xFA00] =	vst v63  }
0xa2: {  	s10 =	simm.s32 $0x40F8  }
0xa3: {  	[tilespmem:s16], [sflag:$0x5] =	stream.indirect.gather.add.f32 [hbm:s2], $0x80, s10, s12, $0xb8;
	[tilespmem:$0xFA00] =	vst v63  }
0xa4: {  	s11 =	simm.s32 $0x4120  }
0xa5: {  	[tilespmem:s17], [sflag:$0x6] =	stream.indirect.gather.add.f32 [hbm:s2], $0x80, s11, s12, $0xb8;
	[tilespmem:$0xFA00] =	vst v63  }
0xa6: {  	s4 =	simm.s32 $0x4148  }
0xa7: {  	[tilespmem:s18], [sflag:$0x7] =	stream.indirect.gather.add.f32 [hbm:s2], $0x80, s4, s12, $0xb8;
	[tilespmem:$0xFA00] =	vst v63  }
0xa8: {  	s10 =	simm.s32 $0x4170  }
0xa9: {  	[tilespmem:s19], [sflag:$0x8] =	stream.indirect.gather.add.f32 [hbm:s2], $0x80, s10, s12, $0xb8;
	[tilespmem:$0xFA00] =	vst v63  }
0xaa: {  	s11 =	simm.s32 $0x4198  }
0xab: {  	[tilespmem:s20], [sflag:$0x9] =	stream.indirect.gather.add.f32 [hbm:s2], $0x80, s11, s12, $0xb8;
	[tilespmem:$0xFA00] =	vst v63  }
0xac: {  	_ =	swait.ge [sflag:s21], $0x1400  }
0xad: {  	[sflag:s21] =	ssyncset.done $0x0  }
0xae: {  	[sflag:s21] =	ssyncadd.s32 $0xFFFFEC00  }
0xaf: {  	_ =	swait.ge [sflag:s22], $0x1400  }
0xb0: {  	[sflag:s22] =	ssyncset.done $0x0  }
0xb1: {  	[sflag:s22] =	ssyncadd.s32 $0xFFFFEC00  }
0xb2: {  	_ =	swait.ge [sflag:s23], $0x1400  }
0xb3: {  	[sflag:s23] =	ssyncset.done $0x0  }
0xb4: {  	[sflag:s23] =	ssyncadd.s32 $0xFFFFEC00  }
0xb5: {  	_ =	swait.ge [sflag:s24], $0x1400  }
0xb6: {  	[sflag:s24] =	ssyncset.done $0x0  }
0xb7: {  	[sflag:s24] =	ssyncadd.s32 $0xFFFFEC00  }
0xb8: {  	_ =	swait.ge [sflag:s25], $0x1400  }
0xb9: {  	[sflag:s25] =	ssyncset.done $0x0  }
0xba: {  	[sflag:s25] =	ssyncadd.s32 $0xFFFFEC00  }
0xbb: {  	_ =	swait.ge [sflag:s26], $0x1400  }
0xbc: {  	[sflag:s26] =	ssyncset.done $0x0  }
0xbd: {  	[sflag:s26] =	ssyncadd.s32 $0xFFFFEC00  }
0xbe: {  	_ =	swait.ge [sflag:s28], $0x1400  }
0xbf: {  	[sflag:s28] =	ssyncset.done $0x0  }
0xc0: {  	[sflag:s28] =	ssyncadd.s32 $0xFFFFEC00  }
0xc1: {  	_ =	swait.ge [sflag:s29], $0x1400  }
0xc2: {  	s1 =	simm.s32 $0xA00;
	s30 =	simm.s32 $0x140;
	[sflag:s29] =	ssyncset.done $0x0  }
.LBB2_4:
0xc3: {  	s4 =	sadd.s32 $0x4080, s30  }
0xc4: {  	[sflag:s29] =	ssyncadd.s32 $0xFFFFEC00;
	s11 =	smov.u32 s1;
	s10 =	sadd.s32 $0x500, s1  }
0xc5: {  	[tilespmem:s13], [sflag:$0x2] =	stream.indirect.gather.add.f32 [hbm:s2], $0x80, s4, s12, $0xb8;
	[tilespmem:$0xFA00] =	vst v63  }
0xc6: {  	p0 =	sne.s32 s1, $0x5A00;
	s1 =	sadd.s32 $0x40A8, s30  }
0xc7: {  	[tilespmem:s14], [sflag:$0x3] =	stream.indirect.gather.add.f32 [hbm:s2], $0x80, s1, s12, $0xb8;
	[tilespmem:$0xFA00] =	vst v63  }
0xc8: {  	s1 =	sadd.s32 $0x40D0, s30  }
0xc9: {  	[tilespmem:s15], [sflag:$0x4] =	stream.indirect.gather.add.f32 [hbm:s2], $0x80, s1, s12, $0xb8;
	[tilespmem:$0xFA00] =	vst v63  }
0xca: {  	s1 =	sadd.s32 $0x40F8, s30  }
0xcb: {  	[tilespmem:s16], [sflag:$0x5] =	stream.indirect.gather.add.f32 [hbm:s2], $0x80, s1, s12, $0xb8;
	[tilespmem:$0xFA00] =	vst v63  }
0xcc: {  	s1 =	sadd.s32 $0x4120, s30  }
0xcd: {  	[tilespmem:s17], [sflag:$0x6] =	stream.indirect.gather.add.f32 [hbm:s2], $0x80, s1, s12, $0xb8;
	[tilespmem:$0xFA00] =	vst v63  }
0xce: {  	s1 =	sadd.s32 $0x4148, s30  }
0xcf: {  	[tilespmem:s18], [sflag:$0x7] =	stream.indirect.gather.add.f32 [hbm:s2], $0x80, s1, s12, $0xb8;
	[tilespmem:$0xFA00] =	vst v63  }
0xd0: {  	s1 =	sadd.s32 $0x4170, s30  }
0xd1: {  	[tilespmem:s19], [sflag:$0x8] =	stream.indirect.gather.add.f32 [hbm:s2], $0x80, s1, s12, $0xb8;
	[tilespmem:$0xFA00] =	vst v63  }
0xd2: {  	s1 =	sadd.s32 $0x4198, s30  }
0xd3: {  	[tilespmem:s20], [sflag:$0x9] =	stream.indirect.gather.add.f32 [hbm:s2], $0x80, s1, s12, $0xb8;
	[tilespmem:$0xFA00] =	vst v63  }
0xd4: {  	_ =	swait.ge [sflag:s21], $0x1400  }
0xd5: {  	[sflag:s21] =	ssyncset.done $0x0  }
0xd6: {  	[sflag:s21] =	ssyncadd.s32 $0xFFFFEC00  }
0xd7: {  	_ =	swait.ge [sflag:s22], $0x1400  }
0xd8: {  	[sflag:s22] =	ssyncset.done $0x0  }
0xd9: {  	[sflag:s22] =	ssyncadd.s32 $0xFFFFEC00  }
0xda: {  	_ =	swait.ge [sflag:s23], $0x1400  }
0xdb: {  	[sflag:s23] =	ssyncset.done $0x0  }
0xdc: {  	[sflag:s23] =	ssyncadd.s32 $0xFFFFEC00  }
0xdd: {  	_ =	swait.ge [sflag:s24], $0x1400  }
0xde: {  	[sflag:s24] =	ssyncset.done $0x0  }
0xdf: {  	[sflag:s24] =	ssyncadd.s32 $0xFFFFEC00  }
0xe0: {  	_ =	swait.ge [sflag:s25], $0x1400  }
0xe1: {  	[sflag:s25] =	ssyncset.done $0x0  }
0xe2: {  	[sflag:s25] =	ssyncadd.s32 $0xFFFFEC00  }
0xe3: {  	_ =	swait.ge [sflag:s26], $0x1400  }
0xe4: {  	[sflag:s26] =	ssyncset.done $0x0  }
0xe5: {  	[sflag:s26] =	ssyncadd.s32 $0xFFFFEC00  }
.Ltmp1:
0xe6: {  	_ =	swait.ge [sflag:s28], $0x1400;
	(pc) =	sbr.rel @p0 .LBB2_4-.Ltmp1, $4  }
0xe7: {  	[sflag:s28] =	ssyncset.done $0x0  }
0xe8: {  	[sflag:s28] =	ssyncadd.s32 $0xFFFFEC00  }
0xe9: {  	_ =	swait.ge [sflag:s29], $0x1400  }
0xea: {  	s30 =	sshra.s32 s11, $0x2;
	s1 =	smov.u32 s10;
	[sflag:s29] =	ssyncset.done $0x0  }
0xeb: {  	s1 =	sadd.s32 $0x4080, s30;
	[sflag:s29] =	ssyncadd.s32 $0xFFFFEC00  }
0xec: {  	[tilespmem:s13], [sflag:$0x2] =	stream.indirect.gather.add.f32 [hbm:s2], $0x80, s1, s12, $0xb8;
	[tilespmem:$0xFA00] =	vst v63  }
0xed: {  	s11 =	sadd.s32 $0x40A8, s30  }
0xee: {  	[tilespmem:s14], [sflag:$0x3] =	stream.indirect.gather.add.f32 [hbm:s2], $0x80, s11, s12, $0xb8;
	[tilespmem:$0xFA00] =	vst v63  }
0xef: {  	s4 =	sadd.s32 $0x40D0, s30  }
0xf0: {  	[tilespmem:s15], [sflag:$0x4] =	stream.indirect.gather.add.f32 [hbm:s2], $0x80, s4, s12, $0xb8;
	[tilespmem:$0xFA00] =	vst v63  }
0xf1: {  	s10 =	sadd.s32 $0x40F8, s30  }
0xf2: {  	[tilespmem:s16], [sflag:$0x5] =	stream.indirect.gather.add.f32 [hbm:s2], $0x80, s10, s12, $0xb8;
	[tilespmem:$0xFA00] =	vst v63  }
0xf3: {  	s11 =	sadd.s32 $0x4120, s30  }
0xf4: {  	[tilespmem:s17], [sflag:$0x6] =	stream.indirect.gather.add.f32 [hbm:s2], $0x80, s11, s12, $0xb8;
	[tilespmem:$0xFA00] =	vst v63  }
0xf5: {  	s4 =	sadd.s32 $0x4148, s30  }
0xf6: {  	[tilespmem:s18], [sflag:$0x7] =	stream.indirect.gather.add.f32 [hbm:s2], $0x80, s4, s12, $0xb8;
	[tilespmem:$0xFA00] =	vst v63  }
0xf7: {  	s10 =	sadd.s32 $0x4170, s30  }
0xf8: {  	[tilespmem:s19], [sflag:$0x8] =	stream.indirect.gather.add.f32 [hbm:s2], $0x80, s10, s12, $0xb8;
	[tilespmem:$0xFA00] =	vst v63  }
0xf9: {  	s11 =	sadd.s32 $0x4198, s30  }
0xfa: {  	[tilespmem:s20], [sflag:$0x9] =	stream.indirect.gather.add.f32 [hbm:s2], $0x80, s11, s12, $0xb8;
	[tilespmem:$0xFA00] =	vst v63  }
0xfb: {  	_ =	swait.ge [sflag:s21], $0x1400  }
0xfc: {  	[sflag:s21] =	ssyncset.done $0x0  }
0xfd: {  	[sflag:s21] =	ssyncadd.s32 $0xFFFFEC00  }
0xfe: {  	_ =	swait.ge [sflag:s22], $0x1400  }
0xff: {  	[sflag:s22] =	ssyncset.done $0x0  }
0x100: {  	[sflag:s22] =	ssyncadd.s32 $0xFFFFEC00  }
0x101: {  	_ =	swait.ge [sflag:s23], $0x1400  }
0x102: {  	[sflag:s23] =	ssyncset.done $0x0  }
0x103: {  	[sflag:s23] =	ssyncadd.s32 $0xFFFFEC00  }
0x104: {  	_ =	swait.ge [sflag:s24], $0x1400  }
0x105: {  	[sflag:s24] =	ssyncset.done $0x0  }
0x106: {  	[sflag:s24] =	ssyncadd.s32 $0xFFFFEC00  }
0x107: {  	_ =	swait.ge [sflag:s25], $0x1400  }
0x108: {  	[sflag:s25] =	ssyncset.done $0x0  }
0x109: {  	[sflag:s25] =	ssyncadd.s32 $0xFFFFEC00  }
0x10a: {  	_ =	swait.ge [sflag:s26], $0x1400  }
0x10b: {  	[sflag:s26] =	ssyncset.done $0x0  }
0x10c: {  	[sflag:s26] =	ssyncadd.s32 $0xFFFFEC00  }
0x10d: {  	_ =	swait.ge [sflag:s28], $0x1400  }
0x10e: {  	[sflag:s28] =	ssyncset.done $0x0  }
0x10f: {  	[sflag:s28] =	ssyncadd.s32 $0xFFFFEC00  }
0x110: {  	_ =	swait.ge [sflag:s29], $0x1400  }
0x111: {  	[sflag:s29] =	ssyncset.done $0x0  }
0x112: {  	s30 =	simm.s32 $0x5840;
	[sflag:s29] =	ssyncadd.s32 $0xFFFFEC00  }
0x113: {  	[tilespmem:s13], [sflag:$0x2] =	stream.indirect.gather.add.f32 [hbm:s2], $0x80, s30, s12, $0xb8;
	[tilespmem:$0xFA00] =	vst v63  }
0x114: {  	s4 =	simm.s32 $0x5868  }
0x115: {  	[tilespmem:s14], [sflag:$0x3] =	stream.indirect.gather.add.f32 [hbm:s2], $0x80, s4, s12, $0xb8;
	[tilespmem:$0xFA00] =	vst v63  }
0x116: {  	s10 =	simm.s32 $0x5890  }
0x117: {  	[tilespmem:s15], [sflag:$0x4] =	stream.indirect.gather.add.f32 [hbm:s2], $0x80, s10, s12, $0xb8;
	[tilespmem:$0xFA00] =	vst v63  }
0x118: {  	s11 =	simm.s32 $0x58B8  }
0x119: {  	[tilespmem:s16], [sflag:$0x5] =	stream.indirect.gather.add.f32 [hbm:s2], $0x80, s11, s12, $0xb8;
	[tilespmem:$0xFA00] =	vst v63  }
0x11a: {  	s30 =	simm.s32 $0x58E0  }
0x11b: {  	[tilespmem:s17], [sflag:$0x6] =	stream.indirect.gather.add.f32 [hbm:s2], $0x80, s30, s12, $0xb8;
	[tilespmem:$0xFA00] =	vst v63  }
0x11c: {  	_ =	swait.ge [sflag:s21], $0x1400  }
0x11d: {  	[sflag:s21] =	ssyncset.done $0x0  }
0x11e: {  	[sflag:s21] =	ssyncadd.s32 $0xFFFFEC00  }
0x11f: {  	_ =	swait.ge [sflag:s22], $0x1400  }
0x120: {  	[sflag:s22] =	ssyncset.done $0x0  }
0x121: {  	[sflag:s22] =	ssyncadd.s32 $0xFFFFEC00  }
0x122: {  	_ =	swait.ge [sflag:s23], $0x1400  }
0x123: {  	[sflag:s23] =	ssyncset.done $0x0  }
0x124: {  	[sflag:s23] =	ssyncadd.s32 $0xFFFFEC00  }
0x125: {  	_ =	swait.ge [sflag:s24], $0x1400  }
0x126: {  	[sflag:s24] =	ssyncset.done $0x0  }
0x127: {  	[sflag:s24] =	ssyncadd.s32 $0xFFFFEC00  }
0x128: {  	_ =	swait.ge [sflag:s25], $0x1400  }
0x129: {  	[sflag:s25] =	ssyncset.done $0x0  }
0x12a: {  	s1 =	simm.s32 $0x0;
	[sflag:s25] =	ssyncadd.s32 $0xFFFFEC00  }
0x12b: {  	v7 =	vld [tilespmem:s1+$0xE580]  }
0x12c: {  	v8 =	vld [tilespmem:s1+$0xE590]  }
0x12d: {  	v9 =	vld [tilespmem:s1+$0xE5A0]  }
0x12e: {  	v10 =	vld [tilespmem:s1+$0xE5B0]  }
0x12f: {  	v1 =	vld [tilespmem:s1+$0xE5C0]  }
0x130: {  	v2 =	vld [tilespmem:s1+$0xE5D0]  }
0x131: {  	v15 =	vld [tilespmem:s1+$0xD180]  }
0x132: {  	v17 =	vld [tilespmem:s1+$0xD190]  }
0x133: {  	v14 =	vld [tilespmem:s1+$0xD1A0]  }
0x134: {  	v16 =	vld [tilespmem:s1+$0xD1B0]  }
0x135: {  	v4 =	vld [tilespmem:s1+$0xD1C0]  }
0x136: {  	v3 =	vld [tilespmem:s1+$0xD1D0]  }
0x137: {  	v18 =	vld [tilespmem:s1+$0xBD80]  }
0x138: {  	v19 =	vld [tilespmem:s1+$0xBD90]  }
0x139: {  	v20 =	vld [tilespmem:s1+$0xBDA0]  }
0x13a: {  	v25 =	vld [tilespmem:s1+$0xBDB0]  }
0x13b: {  	v5 =	vld [tilespmem:s1+$0xBDC0]  }
0x13c: {  	v6 =	vld [tilespmem:s1+$0xBDD0]  }
0x13d: {  	v22 =	vld [tilespmem:s1+$0xA980]  }
0x13e: {  	v23 =	vld [tilespmem:s1+$0xA990]  }
0x13f: {  	v24 =	vld [tilespmem:s1+$0xA9A0]  }
0x140: {  	v31 =	vld [tilespmem:s1+$0xA9B0]  }
0x141: {  	v11 =	vld [tilespmem:s1+$0xA9C0]  }
0x142: {  	v28 =	vld [tilespmem:s1+$0x9580]  }
0x143: {  	v29 =	vld [tilespmem:s1+$0x9590]  }
0x144: {  	v26 =	vld [tilespmem:s1+$0x8180]  }
0x145: {  	v27 =	vld [tilespmem:s1+$0x8190]  }
0x146: {  	v12 =	vld [tilespmem:s1+$0x6D80]  }
0x147: {  	v21 =	vld [tilespmem:s1+$0x6D90]  }
0x148: {  	v30 =	vld [tilespmem:s1+$0x5980]  }
0x149: {  	v32 =	vld [tilespmem:s1+$0x5990]  }
0x14a: {  	v33 =	vld [tilespmem:s1+$0x59A0]  }
0x14b: {  	v34 =	vld [tilespmem:s1+$0x59B0]  }
0x14c: {  	v35 =	vld [tilespmem:s1+$0x6DA0]  }
0x14d: {  	v36 =	vld [tilespmem:s1+$0x6DB0]  }
0x14e: {  	v13 =	vimm.f32 $0.0e+00;
	v37 =	vld [tilespmem:s1+$0x81A0]  }
0x14f: {  	v38 =	vld [tilespmem:s1+$0x81B0];
	v30 =	vadd.f32 v30, v13;
	v32 =	vadd.f32 v32, v13  }
0x150: {  	v39 =	vld [tilespmem:s1+$0x95A0];
	v33 =	vadd.f32 v33, v13;
	v34 =	vadd.f32 v34, v13  }
0x151: {  	v40 =	vld [tilespmem:s1+$0x95B0];
	v30 =	vadd.f32 v12, v30;
	v32 =	vadd.f32 v21, v32  }
0x152: {  	v12 =	vld [tilespmem:s1+$0xA9D0];
	v33 =	vadd.f32 v35, v33;
	v34 =	vadd.f32 v36, v34  }
0x153: {  	v21 =	vld [tilespmem:s1+$0x95C0];
	v30 =	vadd.f32 v26, v30;
	v32 =	vadd.f32 v27, v32  }
0x154: {  	v26 =	vld [tilespmem:s1+$0x95D0];
	v33 =	vadd.f32 v37, v33;
	v34 =	vadd.f32 v38, v34  }
0x155: {  	v27 =	vld [tilespmem:s1+$0x81C0];
	v30 =	vadd.f32 v28, v30;
	v32 =	vadd.f32 v29, v32  }
0x156: {  	v28 =	vld [tilespmem:s1+$0x81D0];
	v33 =	vadd.f32 v39, v33;
	v34 =	vadd.f32 v40, v34  }
0x157: {  	v29 =	vld [tilespmem:s1+$0x6DC0];
	v22 =	vadd.f32 v22, v30;
	v23 =	vadd.f32 v23, v32  }
0x158: {  	v30 =	vld [tilespmem:s1+$0x6DD0];
	v24 =	vadd.f32 v24, v33;
	v63 =	vadd.f32 v31, v34  }
0x159: {  	v31 =	vld [tilespmem:s1+$0x59C0];
	v22 =	vadd.f32 v18, v22;
	v23 =	vadd.f32 v19, v23  }
0x15a: {  	v32 =	vld [tilespmem:s1+$0x59D0];
	v24 =	vadd.f32 v20, v24;
	v25 =	vadd.f32 v25, v63  }
0x15b: {  	s11 =	simm.s32 $0x200;
	v33 =	vld [tilespmem:s1+$0x59E0];
	v20 =	vimm.f32 $0.0e+00;
	v19 =	vimm.f32 $0.0e+00;
	v18 =	vimm.f32 $0.0e+00  }
.LBB2_6:
0x15c: {  	p0 =	sne.s32 s11, $0x4E00;
	v34 =	vld [tilespmem:s1+$0x59F0];
	v15 =	vadd.f32 v15, v22;
	v17 =	vadd.f32 v17, v23  }
0x15d: {  	v35 =	vld [tilespmem:s1+$0x6DE0];
	v14 =	vadd.f32 v14, v24;
	v16 =	vadd.f32 v16, v25  }
0x15e: {  	v36 =	vld [tilespmem:s1+$0x6DF0];
	v22 =	vadd.f32 v7, v15;
	v23 =	vadd.f32 v8, v17  }
0x15f: {  	v7 =	vld [tilespmem:s1+$0x81E0];
	v24 =	vadd.f32 v9, v14;
	v25 =	vadd.f32 v10, v16  }
0x160: {  	v8 =	vadd.f32 v31, v13;
	v9 =	vadd.f32 v32, v20;
	v10 =	vld [tilespmem:s1+$0x81F0]  }
0x161: {  	v13 =	vadd.f32 v33, v19;
	v14 =	vadd.f32 v34, v18;
	v15 =	vld [tilespmem:s1+$0x95E0]  }
0x162: {  	v8 =	vadd.f32 v29, v8;
	v9 =	vadd.f32 v30, v9;
	v16 =	vld [tilespmem:s1+$0x95F0]  }
0x163: {  	v13 =	vadd.f32 v35, v13;
	v14 =	vadd.f32 v36, v14;
	v17 =	vld [tilespmem:s1+$0xA9E0]  }
0x164: {  	v8 =	vadd.f32 v27, v8;
	v9 =	vadd.f32 v28, v9;
	v18 =	vld [tilespmem:s1+$0xA9F0]  }
0x165: {  	v7 =	vadd.f32 v7, v13;
	v10 =	vadd.f32 v10, v14;
	v13 =	vld [tilespmem:s1+$0xBDE0]  }
0x166: {  	v8 =	vadd.f32 v21, v8;
	v9 =	vadd.f32 v26, v9;
	v14 =	vld [tilespmem:s1+$0xBDF0]  }
0x167: {  	v7 =	vadd.f32 v15, v7;
	v10 =	vadd.f32 v16, v10;
	v15 =	vld [tilespmem:s1+$0xD1E0]  }
0x168: {  	v8 =	vadd.f32 v11, v8;
	v9 =	vadd.f32 v12, v9;
	v11 =	vld [tilespmem:s1+$0xD1F0]  }
0x169: {  	v12 =	vadd.f32 v17, v7;
	v10 =	vadd.f32 v18, v10;
	v16 =	vld [tilespmem:s1+$0xE5E0]  }
0x16a: {  	v5 =	vadd.f32 v5, v8;
	v6 =	vadd.f32 v6, v9;
	v17 =	vld [tilespmem:s1+$0xE5F0];
	s1 =	sshra.s32 s11, $0x2  }
0x16b: {  	v12 =	vadd.f32 v13, v12;
	v7 =	vld [tilespmem:s1+$0xE580];
	v10 =	vadd.f32 v14, v10  }
0x16c: {  	v4 =	vadd.f32 v4, v5;
	v3 =	vadd.f32 v3, v6;
	v8 =	vld [tilespmem:s1+$0xE590]  }
0x16d: {  	v5 =	vadd.f32 v15, v12;
	v9 =	vld [tilespmem:s1+$0xE5A0];
	v6 =	vadd.f32 v11, v10  }
0x16e: {  	v13 =	vadd.f32 v1, v4;
	v20 =	vadd.f32 v2, v3;
	v10 =	vld [tilespmem:s1+$0xE5B0]  }
0x16f: {  	v19 =	vadd.f32 v16, v5;
	v1 =	vld [tilespmem:s1+$0xE5C0];
	v18 =	vadd.f32 v17, v6  }
0x170: {  	v2 =	vld [tilespmem:s1+$0xE5D0]  }
0x171: {  	v15 =	vld [tilespmem:s1+$0xD180]  }
0x172: {  	v17 =	vld [tilespmem:s1+$0xD190]  }
0x173: {  	v14 =	vld [tilespmem:s1+$0xD1A0]  }
0x174: {  	v16 =	vld [tilespmem:s1+$0xD1B0]  }
0x175: {  	v4 =	vld [tilespmem:s1+$0xD1C0]  }
0x176: {  	v3 =	vld [tilespmem:s1+$0xD1D0]  }
0x177: {  	v33 =	vld [tilespmem:s1+$0xBD80]  }
0x178: {  	v34 =	vld [tilespmem:s1+$0xBD90]  }
0x179: {  	v35 =	vld [tilespmem:s1+$0xBDA0]  }
0x17a: {  	v36 =	vld [tilespmem:s1+$0xBDB0]  }
0x17b: {  	v5 =	vld [tilespmem:s1+$0xBDC0]  }
0x17c: {  	v6 =	vld [tilespmem:s1+$0xBDD0]  }
0x17d: {  	v31 =	vld [tilespmem:s1+$0xA980]  }
0x17e: {  	v32 =	vld [tilespmem:s1+$0xA990]  }
0x17f: {  	v37 =	vld [tilespmem:s1+$0xA9A0]  }
0x180: {  	v38 =	vld [tilespmem:s1+$0xA9B0]  }
0x181: {  	v11 =	vld [tilespmem:s1+$0xA9C0]  }
0x182: {  	v12 =	vld [tilespmem:s1+$0xA9D0]  }
0x183: {  	v29 =	vld [tilespmem:s1+$0x9580]  }
0x184: {  	v30 =	vld [tilespmem:s1+$0x9590]  }
0x185: {  	v26 =	vld [tilespmem:s1+$0x8180]  }
0x186: {  	v27 =	vld [tilespmem:s1+$0x8190]  }
0x187: {  	v21 =	vld [tilespmem:s1+$0x6D80]  }
0x188: {  	v28 =	vld [tilespmem:s1+$0x6D90]  }
0x189: {  	v39 =	vld [tilespmem:s1+$0x5980]  }
0x18a: {  	v40 =	vld [tilespmem:s1+$0x5990]  }
0x18b: {  	v41 =	vld [tilespmem:s1+$0x59A0]  }
0x18c: {  	v42 =	vld [tilespmem:s1+$0x59B0]  }
0x18d: {  	v43 =	vld [tilespmem:s1+$0x6DA0]  }
0x18e: {  	v44 =	vld [tilespmem:s1+$0x6DB0]  }
0x18f: {  	v45 =	vld [tilespmem:s1+$0x81A0]  }
0x190: {  	v22 =	vadd.f32 v39, v22;
	v23 =	vadd.f32 v40, v23;
	v39 =	vld [tilespmem:s1+$0x81B0]  }
0x191: {  	v24 =	vadd.f32 v41, v24;
	v25 =	vadd.f32 v42, v25;
	v40 =	vld [tilespmem:s1+$0x95A0]  }
0x192: {  	v22 =	vadd.f32 v21, v22;
	v23 =	vadd.f32 v28, v23;
	v41 =	vld [tilespmem:s1+$0x95B0]  }
0x193: {  	v24 =	vadd.f32 v43, v24;
	v25 =	vadd.f32 v44, v25;
	v21 =	vld [tilespmem:s1+$0x95C0]  }
0x194: {  	v22 =	vadd.f32 v26, v22;
	v23 =	vadd.f32 v27, v23;
	v26 =	vld [tilespmem:s1+$0x95D0]  }
0x195: {  	v24 =	vadd.f32 v45, v24;
	v25 =	vadd.f32 v39, v25;
	v27 =	vld [tilespmem:s1+$0x81C0]  }
0x196: {  	v22 =	vadd.f32 v29, v22;
	v23 =	vadd.f32 v30, v23;
	v28 =	vld [tilespmem:s1+$0x81D0]  }
.Ltmp2:
0x197: {  	v24 =	vadd.f32 v40, v24;
	v29 =	vld [tilespmem:s1+$0x6DC0];
	v25 =	vadd.f32 v41, v25;
	(pc) =	sbr.rel @p0 .LBB2_6-.Ltmp2, $4  }
0x198: {  	v22 =	vadd.f32 v31, v22;
	v23 =	vadd.f32 v32, v23;
	v30 =	vld [tilespmem:s1+$0x6DD0]  }
0x199: {  	v24 =	vadd.f32 v37, v24;
	v31 =	vld [tilespmem:s1+$0x59C0];
	v25 =	vadd.f32 v38, v25  }
0x19a: {  	v22 =	vadd.f32 v33, v22;
	v23 =	vadd.f32 v34, v23;
	v32 =	vld [tilespmem:s1+$0x59D0]  }
0x19b: {  	s11 =	sadd.s32 $0x200, s11;
	v24 =	vadd.f32 v35, v24;
	v33 =	vld [tilespmem:s1+$0x59E0];
	v25 =	vadd.f32 v36, v25  }
0x19c: {  	v15 =	vadd.f32 v15, v22;
	v17 =	vadd.f32 v17, v23  }
0x19d: {  	v34 =	vld [tilespmem:s1+$0x59F0];
	v14 =	vadd.f32 v14, v24;
	v16 =	vadd.f32 v16, v25  }
0x19e: {  	v42 =	vld [tilespmem:s1+$0x6DE0];
	v7 =	vadd.f32 v7, v15;
	v8 =	vadd.f32 v8, v17  }
0x19f: {  	v43 =	vld [tilespmem:s1+$0x6DF0];
	v13 =	vadd.f32 v31, v13;
	v9 =	vadd.f32 v9, v14  }
0x1a0: {  	v44 =	vld [tilespmem:s1+$0x81E0];
	v10 =	vadd.f32 v10, v16;
	v45 =	vadd.f32 v32, v20  }
0x1a1: {  	v46 =	vld [tilespmem:s1+$0x81F0];
	v47 =	vadd.f32 v33, v19;
	v13 =	vadd.f32 v29, v13  }
0x1a2: {  	v48 =	vld [tilespmem:s1+$0x95E0];
	v18 =	vadd.f32 v34, v18;
	v14 =	vadd.f32 v30, v45  }
0x1a3: {  	v49 =	vld [tilespmem:s1+$0x95F0];
	v17 =	vadd.f32 v42, v47;
	v13 =	vadd.f32 v27, v13  }
0x1a4: {  	v50 =	vld [tilespmem:s1+$0xA9E0];
	v18 =	vadd.f32 v43, v18;
	v14 =	vadd.f32 v28, v14  }
0x1a5: {  	v51 =	vld [tilespmem:s1+$0xA9F0];
	v15 =	vadd.f32 v44, v17;
	v13 =	vadd.f32 v21, v13  }
0x1a6: {  	v52 =	vld [tilespmem:s1+$0xBDE0];
	v16 =	vadd.f32 v46, v18;
	v14 =	vadd.f32 v26, v14  }
0x1a7: {  	v53 =	vld [tilespmem:s1+$0xBDF0];
	v15 =	vadd.f32 v48, v15;
	v11 =	vadd.f32 v11, v13  }
0x1a8: {  	v54 =	vld [tilespmem:s1+$0xD1E0];
	v55 =	vadd.f32 v49, v16;
	v12 =	vadd.f32 v12, v14  }
0x1a9: {  	v56 =	vld [tilespmem:s1+$0xD1F0];
	v15 =	vadd.f32 v50, v15;
	v5 =	vadd.f32 v5, v11  }
0x1aa: {  	v57 =	vld [tilespmem:s1+$0xE5E0];
	v58 =	vadd.f32 v51, v55;
	v6 =	vadd.f32 v6, v12  }
0x1ab: {  	v59 =	vld [tilespmem:s1+$0xE5F0];
	[tilespmem:$0xF980] =	vst v7;
	v60 =	vadd.f32 v52, v15;
	v4 =	vadd.f32 v4, v5  }
0x1ac: {  	[tilespmem:$0xF990] =	vst v8;
	v61 =	vadd.f32 v53, v58;
	v3 =	vadd.f32 v3, v6  }
0x1ad: {  	[tilespmem:$0xF9A0] =	vst v9;
	v62 =	vadd.f32 v54, v60;
	v1 =	vadd.f32 v1, v4  }
0x1ae: {  	[tilespmem:$0xF9B0] =	vst v10;
	v63 =	vadd.f32 v56, v61;
	v2 =	vadd.f32 v2, v3  }
0x1af: {  	v3 =	vadd.f32 v57, v62;
	[tilespmem:$0xF9C0] =	vst v1  }
0x1b0: {  	v1 =	vadd.f32 v59, v63;
	[tilespmem:$0xF9D0] =	vst v2  }
0x1b1: {  	[tilespmem:$0xF9E0] =	vst v3  }
0x1b2: {  	s30 =	simm.s32 $0xF980;
	[tilespmem:$0xF9F0] =	vst v1  }
0x1b3: {  	[hbm4b:s6+s3] =	stream.linear.scatter [tilespmem:s30], [sflag:$0xA], $0x80, $0x38;
	[tilespmem:$0xFA00] =	vst v63  }
0x1b4: {  	_ =	swait.ge [sflag:s9], $0x80  }
0x1b5: {  	[sflag:s9] =	ssyncset.done $0x0  }
0x1b6: {  	[sflag:s9] =	ssyncadd.s32 $0xFFFFFF80  }
0x1b7: {  	s0 =	sadd.s32 $0x1, s0;
	_ =	swait.ge [sflag:s31], $0x4000  }
0x1b8: {  	p0 =	sne.s32 s0, s8;
	[sflag:s31] =	ssyncset.done $0x0  }
.Ltmp3:
0x1b9: {  	s4 =	simm.s32 $0x80;
	[sflag:s31] =	ssyncadd.s32 $0xFFFFC000;
	(pc) =	sbr.rel @p0 .LBB2_1-.Ltmp3, $4  }
0x1ba: {  	[hbm4b:s7+s3] =	stream.linear.scatter [tilespmem:s4], [sflag:$0xA], $0x4000, $0x38;
	[tilespmem:$0xFA00] =	vst v63  }
0x1bb: {  	_ =	swait.ge [sflag:s9], $0x4000  }
0x1bc: {  	[sflag:s9] =	ssyncset.done $0x0  }
0x1bd: {  	[sflag:s9] =	ssyncadd.s32 $0xFFFFC000  }
0x1be: {  	_ =	sfence.sel $0x180000  }
0x1bf: {  	[bflag:$0x0] =	sbarrier.arrive $0xFFFF  }
0x1c0: {  	_ =	strace $0x90000047  }
0x1c1: {  	s0 =	stileid.u32;
	[bflag:$0x2] =	sbarrier.arrive $0xFFFF  }
0x1c2: {  	p0 =	sne.s32 s0, $0x0;
	s0 =	rddreg [dreg:$0x3]  }
0x1c3: {  	s0 =	sadd.s32 @!p0 $0x100000, s0  }
0x1c4: {  	[sflag:s0] =	ssyncadd.tile.s32 @!p0 $0x1;
	_ =	shalt  }
.Lfunc_end2:
_tile_overlayer_lowered:
.L_overlay_start_2:
0x1c5: {  	(tag) =	ssettag $0x2  }
0x1c6: {  	s0 =	rddreg [dreg:$0x0];
	s2 =	stileid.u32  }
0x1c7: {  	s1 =	rddreg [dreg:$0x1];
	p0 =	sne.s32 s2, $0x0  }
0x1c8: {  	s3 =	rddreg [dreg:$0x2];
	[bflag:$0x3] =	sbarrier.arrive $0xFFFF;
	s2 =	simm.s32 @!p0 $0x1C0A  }
0x1c9: {  	[timem:s3], [sflag:s2] =	dma.local @!p0 [hbm:s0], s1  }
0x1ca: {  	s0 =	simm.s32 @!p0 $0xA  }
0x1cb: {  	_ =	swait.ge @!p0 [sflag:s0], s1  }
0x1cc: {  	s1 =	ssub.s32 @!p0 $0x0, s1;
	[sflag:s0] =	ssyncset.done @!p0 $0x0  }
0x1cd: {  	[sflag:s0] =	ssyncadd.s32 @!p0 s1  }
0x1ce: {  	[bflag:$0x3] =	sbarrier.arrive $0xFFFF  }
0x1cf: {  	_ =	shalt  }

</sc_bundles>
